<compile_context>
chip_gen: v7x
topology: tpu7x:2x2x1
jax: 0.10.2.dev20260603
libtpu: 0.0.44.dev20260713+nightly
codegen_flags: <defaults>
</compile_context>

<pallas_src>
import functools

import jax
import jax.numpy as jnp
from jax import lax
from jax.experimental import pallas as pl
from jax.experimental.pallas import tpu as pltpu
from jax.experimental.pallas import tpu_sc as plsc

B = 16384
D = 64
Y_LOW, Y_HIGH = 14.0, 30.0

_N_BIAS = 100000

def _vtake(v, perm):
    return lax.gather(
        v, perm[:, None],
        dimension_numbers=lax.GatherDimensionNumbers(
            offset_dims=(), collapsed_slice_dims=(0,), start_index_map=(0,)),
        slice_sizes=(1,),
        mode=lax.GatherScatterMode.PROMISE_IN_BOUNDS)


_NC = 2
_NS = 16
_NW = _NC * _NS
_CHUNK = B // _NW
_G = _CHUNK // 16


def _sc_kernel(sidx_hbm, pidx_hbm, sfac_hbm, pfac_hbm, bias_hbm,
               out_hbm, sidx_v, pidx_v, pbidx_v, srows_v, prows_v,
               sb_v, pb_v, out_v, sem):
    wid = lax.axis_index("s") * _NC + lax.axis_index("c")
    base = wid * _CHUNK

    pltpu.sync_copy(sidx_hbm.at[pl.ds(base, _CHUNK)], sidx_v)
    pltpu.sync_copy(pidx_hbm.at[pl.ds(base, _CHUNK)], pidx_v)

    def shift_body(g, _):
        pbidx_v[pl.ds(g * 16, 16)] = pidx_v[pl.ds(g * 16, 16)] + _N_BIAS
        return 0

    lax.fori_loop(0, _G, shift_body, 0)

    c1 = pltpu.async_copy(sfac_hbm.at[sidx_v], srows_v, sem)
    c2 = pltpu.async_copy(pfac_hbm.at[pidx_v], prows_v, sem)
    c3 = pltpu.async_copy(bias_hbm.at[sidx_v], sb_v, sem)
    c4 = pltpu.async_copy(bias_hbm.at[pbidx_v], pb_v, sem)
    c1.wait()
    c2.wait()
    c3.wait()
    c4.wait()

    scale = jnp.full((16,), Y_HIGH - Y_LOW, jnp.float32)
    low = jnp.full((16,), Y_LOW, jnp.float32)
    lanes = lax.iota(jnp.int32, 16)
    perms = [lax.bitwise_xor(lanes, jnp.int32(1 << b)) for b in range(4)]
    lane_masks = [lanes == l for l in range(16)]

    def group_body(g, _):
        res = jnp.zeros((16,), jnp.float32)
        for l in range(16):
            j = g * 16 + l
            acc = srows_v[j, pl.ds(0, 16)] * prows_v[j, pl.ds(0, 16)]
            for k in range(1, D // 16):
                acc = acc + (srows_v[j, pl.ds(k * 16, 16)] *
                             prows_v[j, pl.ds(k * 16, 16)])
            for perm in perms:
                acc = acc + _vtake(acc, perm)
            res = jnp.where(lane_masks[l], acc, res)
        sl = pl.ds(g * 16, 16)
        acc = res + sb_v[sl] + pb_v[sl]
        sig = 1.0 / (1.0 + jnp.exp(-acc))
        out_v[sl] = sig * scale + low
        return 0

    lax.fori_loop(0, _G, group_body, 0)

    pltpu.sync_copy(out_v, out_hbm.at[pl.ds(base, _CHUNK)])


@jax.jit
def _run(sidx, pidx, sample_factors, peptide_factors, bias_all):
    mesh = plsc.VectorSubcoreMesh(core_axis_name="c", subcore_axis_name="s")
    f = functools.partial(
        pl.kernel,
        out_type=jax.ShapeDtypeStruct((B,), jnp.float32),
        mesh=mesh,
        compiler_params=pltpu.CompilerParams(use_tc_tiling_on_sc=False,
                                             needs_layout_passes=False),
        scratch_types=[
            pltpu.VMEM((_CHUNK,), jnp.int32),
            pltpu.VMEM((_CHUNK,), jnp.int32),
            pltpu.VMEM((_CHUNK,), jnp.int32),
            pltpu.VMEM((_CHUNK, D), jnp.float32),
            pltpu.VMEM((_CHUNK, D), jnp.float32),
            pltpu.VMEM((_CHUNK,), jnp.float32),
            pltpu.VMEM((_CHUNK,), jnp.float32),
            pltpu.VMEM((_CHUNK,), jnp.float32),
            pltpu.SemaphoreType.DMA,
        ],
    )(_sc_kernel)
    return f(sidx, pidx, sample_factors, peptide_factors, bias_all)


@jax.jit
def kernel(x, sample_factors, sample_bias, peptide_factors, peptide_bias):
    bias_all = jnp.concatenate(
        [sample_bias.reshape(-1), peptide_bias.reshape(-1)])
    res = _run(x[:, 0], x[:, 1], sample_factors, peptide_factors, bias_all)
    return res.reshape(B, 1)

# --- scband reference (transcript-rebuilt; emitter-appended) ---
"""Pipeline reference for scband-dot-product-bias-77266461655627 (READ-ONLY COPY).

The authoritative reference and input builder live on the scoring server;
editing this copy changes nothing except your own understanding.
"""

import jax, jax.numpy as jnp
import numpy as np

N_SAMPLES = 100000
N_PEPTIDES = 100000
DIM = 64
BATCH = 16384
Y_LOW, Y_HIGH = 14.0, 30.0


def sigmoid_range(x, low, high):
    return jax.nn.sigmoid(x) * (high - low) + low


def setup_inputs(seed: int = 0) -> dict:
    key = jax.random.key(seed)
    k_idx, k_sf, k_sb, k_pf, k_pb = jax.random.split(key, 5)
    x = jax.random.randint(k_idx, (BATCH, 2), 0, N_SAMPLES, dtype=jnp.int64 if jax.config.jax_enable_x64 else jnp.int32).astype(jnp.int32)
    sample_factors = jax.random.normal(k_sf, (N_SAMPLES, DIM), dtype=jnp.float32) * 0.01
    sample_bias = jax.random.normal(k_sb, (N_SAMPLES, 1), dtype=jnp.float32) * 0.01
    peptide_factors = jax.random.normal(k_pf, (N_PEPTIDES, DIM), dtype=jnp.float32) * 0.01
    peptide_bias = jax.random.normal(k_pb, (N_PEPTIDES, 1), dtype=jnp.float32) * 0.01
    return {
        "x": x,
        "sample_factors": sample_factors,
        "sample_bias": sample_bias,
        "peptide_factors": peptide_factors,
        "peptide_bias": peptide_bias,
    }


def reference(x, sample_factors, sample_bias, peptide_factors, peptide_bias):
    sample_idx = x[:, 0]
    peptide_idx = x[:, 1]
    samples = jnp.take(sample_factors, sample_idx, axis=0)      # [B, D]
    peptides = jnp.take(peptide_factors, peptide_idx, axis=0)   # [B, D]
    res = jnp.sum(samples * peptides, axis=1, keepdims=True)    # [B, 1]
    res = res + jnp.take(sample_bias, sample_idx, axis=0) + jnp.take(peptide_bias, peptide_idx, axis=0)
    return sigmoid_range(res, Y_LOW, Y_HIGH)

if __name__ == "__main__":
    import jax
    _d = setup_inputs()
    print(jax.jit(kernel)(*tuple(_d.values())))

</pallas_src>

<mosaic_0001>
#map = affine_map<(d0, d1) -> (0)>
#map1 = affine_map<(d0, d1) -> (0, 0)>
module attributes {stable_mosaic.version = 14 : i64} {
  func.func @_sc_kernel(%arg0: i32, %arg1: i32, %arg2: memref<16384xi32, #tpu.memory_space<hbm>>, %arg3: memref<16384xi32, #tpu.memory_space<hbm>>, %arg4: memref<100000x64xf32, #tpu.memory_space<hbm>>, %arg5: memref<100000x64xf32, #tpu.memory_space<hbm>>, %arg6: memref<200000xf32, #tpu.memory_space<hbm>>, %arg7: memref<16384xf32, #tpu.memory_space<hbm>>, %arg8: memref<512xi32, #tpu.memory_space<vmem>>, %arg9: memref<512xi32, #tpu.memory_space<vmem>>, %arg10: memref<512xi32, #tpu.memory_space<vmem>>, %arg11: memref<512x64xf32, #tpu.memory_space<vmem>>, %arg12: memref<512x64xf32, #tpu.memory_space<vmem>>, %arg13: memref<512xf32, #tpu.memory_space<vmem>>, %arg14: memref<512xf32, #tpu.memory_space<vmem>>, %arg15: memref<512xf32, #tpu.memory_space<vmem>>, %arg16: memref<!tpu.dma_semaphore, #tpu.memory_space<semaphore_mem>>) attributes {dimension_semantics = [#tpu.dimension_semantics<core_parallel>, #tpu.dimension_semantics<subcore_parallel>], iteration_bounds = array<i64: 2, 16>, scalar_prefetch = 0 : i64, scratch_operands = 9 : i64, tpu.core_type = #tpu.core_type<sc_vector_subcore>, window_params = [{transform_indices = #map}, {transform_indices = #map}, {transform_indices = #map1}, {transform_indices = #map1}, {transform_indices = #map}, {transform_indices = #map}]} {
    %mul3A = arith.constant 2 : i32
    %mul3A_0 = arith.muli %arg1, %mul3A : i32
    %add3A = arith.addi %mul3A_0, %arg0 : i32
    %mul3A_1 = arith.constant 512 : i32
    %mul3A_2 = arith.muli %add3A, %mul3A_1 : i32
    "tpu.region"() ({
      %run_scoped3A = tpu.sem_alloc : memref<!tpu.dma_semaphore, #tpu.memory_space<semaphore_mem>>
      %dma_start3A_95 = tpu.memref_slice %arg2[%mul3A_2] : memref<16384xi32, #tpu.memory_space<hbm>> -> memref<512xi32, #tpu.memory_space<hbm>>
      %dma_start3A_96 = tpu.memref_slice %arg2[%mul3A_2] : memref<16384xi32, #tpu.memory_space<hbm>> -> memref<512xi32, #tpu.memory_space<hbm>>
      tpu.enqueue_dma source(%dma_start3A_96 : memref<512xi32, #tpu.memory_space<hbm>>) target(%arg8 : memref<512xi32, #tpu.memory_space<vmem>>) target_semaphore(%run_scoped3A : memref<!tpu.dma_semaphore, #tpu.memory_space<semaphore_mem>>)
      %dma_wait3A_97 = tpu.memref_slice %arg2[%mul3A_2] : memref<16384xi32, #tpu.memory_space<hbm>> -> memref<512xi32, #tpu.memory_space<hbm>>
      %dma_wait3A_98 = tpu.memref_slice %arg2[%mul3A_2] : memref<16384xi32, #tpu.memory_space<hbm>> -> memref<512xi32, #tpu.memory_space<hbm>>
      tpu.wait_dma2 semaphore(%run_scoped3A : memref<!tpu.dma_semaphore, #tpu.memory_space<semaphore_mem>>) src(%dma_wait3A_98 : memref<512xi32, #tpu.memory_space<hbm>>) dst(%arg8 : memref<512xi32, #tpu.memory_space<vmem>>)
      tpu.yield
    }) : () -> ()
    "tpu.region"() ({
      %run_scoped3A = tpu.sem_alloc : memref<!tpu.dma_semaphore, #tpu.memory_space<semaphore_mem>>
      %dma_start3A_95 = tpu.memref_slice %arg3[%mul3A_2] : memref<16384xi32, #tpu.memory_space<hbm>> -> memref<512xi32, #tpu.memory_space<hbm>>
      %dma_start3A_96 = tpu.memref_slice %arg3[%mul3A_2] : memref<16384xi32, #tpu.memory_space<hbm>> -> memref<512xi32, #tpu.memory_space<hbm>>
      tpu.enqueue_dma source(%dma_start3A_96 : memref<512xi32, #tpu.memory_space<hbm>>) target(%arg9 : memref<512xi32, #tpu.memory_space<vmem>>) target_semaphore(%run_scoped3A : memref<!tpu.dma_semaphore, #tpu.memory_space<semaphore_mem>>)
      %dma_wait3A_97 = tpu.memref_slice %arg3[%mul3A_2] : memref<16384xi32, #tpu.memory_space<hbm>> -> memref<512xi32, #tpu.memory_space<hbm>>
      %dma_wait3A_98 = tpu.memref_slice %arg3[%mul3A_2] : memref<16384xi32, #tpu.memory_space<hbm>> -> memref<512xi32, #tpu.memory_space<hbm>>
      tpu.wait_dma2 semaphore(%run_scoped3A : memref<!tpu.dma_semaphore, #tpu.memory_space<semaphore_mem>>) src(%dma_wait3A_98 : memref<512xi32, #tpu.memory_space<hbm>>) dst(%arg9 : memref<512xi32, #tpu.memory_space<vmem>>)
      tpu.yield
    }) : () -> ()
    %scan3A = arith.constant 0 : i32
    %scan3A_3 = arith.constant 0 : i32
    %scan3A_4 = arith.constant 32 : i32
    %scan3A_5 = arith.addi %scan3A_3, %scan3A_4 : i32
    %scan3A_6 = arith.constant 1 : i32
    %scan3A_7 = scf.for %scan3A_95 = %scan3A_3 to %scan3A_5 step %scan3A_6 iter_args(%scan3A_96 = %scan3A) -> (i32)  : i32 {
      %mul3A_97 = arith.constant 16 : i32
      %mul3A_98 = arith.muli %scan3A_95, %mul3A_97 : i32
      %get3A = arith.index_cast %mul3A_98 : i32 to index
      %get3A_99 = tpu.vector_load %arg9[%get3A] {strides = array<i32>} : memref<512xi32, #tpu.memory_space<vmem>>, vector<16xi32>,
      %add3A_100 = arith.constant 100000 : i32
      %add3A_101 = vector.broadcast %add3A_100 : i32 to vector<16xi32>
      %add3A_102 = arith.addi %get3A_99, %add3A_101 : vector<16xi32>
      %mul3A_103 = arith.constant 16 : i32
      %mul3A_104 = arith.muli %scan3A_95, %mul3A_103 : i32
      %swap3A = arith.index_cast %mul3A_104 : i32 to index
      %swap3A_105 = tpu.vector_load %arg10[%swap3A] {strides = array<i32>} : memref<512xi32, #tpu.memory_space<vmem>>, vector<16xi32>,
      tpu.vector_store %arg10[%swap3A], %add3A_102 {strides = array<i32>} : memref<512xi32, #tpu.memory_space<vmem>>, vector<16xi32>,
      %scan3A_106 = arith.constant 0 : i32
      scf.yield %scan3A_106 : i32
    }
    %scan3A_8 = arith.constant 32 : i32
    %dma_start3A = arith.constant 0 : i32
    %dma_start3A_9 = arith.constant 0 : i32
    %dma_start3A_10 = tpu.memref_slice %arg4[%dma_start3A, %dma_start3A_9] : memref<100000x64xf32, #tpu.memory_space<hbm>> -> memref<100000x64xf32, #tpu.memory_space<hbm>>
    tpu.enqueue_indirect_dma source(%dma_start3A_10 : memref<100000x64xf32, #tpu.memory_space<hbm>>) target(%arg11 : memref<512x64xf32, #tpu.memory_space<vmem>>) offsets(%arg8 : memref<512xi32, #tpu.memory_space<vmem>>) semaphore(%arg16 : memref<!tpu.dma_semaphore, #tpu.memory_space<semaphore_mem>>)
    %dma_start3A_11 = arith.constant 0 : i32
    %dma_start3A_12 = arith.constant 0 : i32
    %dma_start3A_13 = tpu.memref_slice %arg5[%dma_start3A_11, %dma_start3A_12] : memref<100000x64xf32, #tpu.memory_space<hbm>> -> memref<100000x64xf32, #tpu.memory_space<hbm>>
    tpu.enqueue_indirect_dma source(%dma_start3A_13 : memref<100000x64xf32, #tpu.memory_space<hbm>>) target(%arg12 : memref<512x64xf32, #tpu.memory_space<vmem>>) offsets(%arg9 : memref<512xi32, #tpu.memory_space<vmem>>) semaphore(%arg16 : memref<!tpu.dma_semaphore, #tpu.memory_space<semaphore_mem>>)
    %dma_start3A_14 = arith.constant 0 : i32
    %dma_start3A_15 = tpu.memref_slice %arg6[%dma_start3A_14] : memref<200000xf32, #tpu.memory_space<hbm>> -> memref<200000xf32, #tpu.memory_space<hbm>>
    tpu.enqueue_indirect_dma source(%dma_start3A_15 : memref<200000xf32, #tpu.memory_space<hbm>>) target(%arg13 : memref<512xf32, #tpu.memory_space<vmem>>) offsets(%arg8 : memref<512xi32, #tpu.memory_space<vmem>>) semaphore(%arg16 : memref<!tpu.dma_semaphore, #tpu.memory_space<semaphore_mem>>)
    %dma_start3A_16 = arith.constant 0 : i32
    %dma_start3A_17 = tpu.memref_slice %arg6[%dma_start3A_16] : memref<200000xf32, #tpu.memory_space<hbm>> -> memref<200000xf32, #tpu.memory_space<hbm>>
    tpu.enqueue_indirect_dma source(%dma_start3A_17 : memref<200000xf32, #tpu.memory_space<hbm>>) target(%arg14 : memref<512xf32, #tpu.memory_space<vmem>>) offsets(%arg10 : memref<512xi32, #tpu.memory_space<vmem>>) semaphore(%arg16 : memref<!tpu.dma_semaphore, #tpu.memory_space<semaphore_mem>>)
    %dma_wait3A = arith.constant 0 : i32
    %dma_wait3A_18 = arith.constant 0 : i32
    %dma_wait3A_19 = tpu.memref_slice %arg4[%dma_wait3A, %dma_wait3A_18] : memref<100000x64xf32, #tpu.memory_space<hbm>> -> memref<100000x64xf32, #tpu.memory_space<hbm>>
    tpu.wait_indirect_dma semaphore(%arg16 : memref<!tpu.dma_semaphore, #tpu.memory_space<semaphore_mem>>) src(%dma_wait3A_19 : memref<100000x64xf32, #tpu.memory_space<hbm>>) dst(%arg11 : memref<512x64xf32, #tpu.memory_space<vmem>>)
    %dma_wait3A_20 = arith.constant 0 : i32
    %dma_wait3A_21 = arith.constant 0 : i32
    %dma_wait3A_22 = tpu.memref_slice %arg5[%dma_wait3A_20, %dma_wait3A_21] : memref<100000x64xf32, #tpu.memory_space<hbm>> -> memref<100000x64xf32, #tpu.memory_space<hbm>>
    tpu.wait_indirect_dma semaphore(%arg16 : memref<!tpu.dma_semaphore, #tpu.memory_space<semaphore_mem>>) src(%dma_wait3A_22 : memref<100000x64xf32, #tpu.memory_space<hbm>>) dst(%arg12 : memref<512x64xf32, #tpu.memory_space<vmem>>)
    %dma_wait3A_23 = arith.constant 0 : i32
    %dma_wait3A_24 = tpu.memref_slice %arg6[%dma_wait3A_23] : memref<200000xf32, #tpu.memory_space<hbm>> -> memref<200000xf32, #tpu.memory_space<hbm>>
    tpu.wait_indirect_dma semaphore(%arg16 : memref<!tpu.dma_semaphore, #tpu.memory_space<semaphore_mem>>) src(%dma_wait3A_24 : memref<200000xf32, #tpu.memory_space<hbm>>) dst(%arg13 : memref<512xf32, #tpu.memory_space<vmem>>)
    %dma_wait3A_25 = arith.constant 0 : i32
    %dma_wait3A_26 = tpu.memref_slice %arg6[%dma_wait3A_25] : memref<200000xf32, #tpu.memory_space<hbm>> -> memref<200000xf32, #tpu.memory_space<hbm>>
    tpu.wait_indirect_dma semaphore(%arg16 : memref<!tpu.dma_semaphore, #tpu.memory_space<semaphore_mem>>) src(%dma_wait3A_26 : memref<200000xf32, #tpu.memory_space<hbm>>) dst(%arg14 : memref<512xf32, #tpu.memory_space<vmem>>)
    %broadcast_in_dim3A = arith.constant 1.600000e+01 : f32
    %broadcast_in_dim3A_27 = vector.broadcast %broadcast_in_dim3A : f32 to vector<16xf32>
    %broadcast_in_dim3A_28 = arith.constant 1.400000e+01 : f32
    %broadcast_in_dim3A_29 = vector.broadcast %broadcast_in_dim3A_28 : f32 to vector<16xf32>
    %iota3A = tpu.iota {dimensions = array<i32: 0>} : vector<16xi32>
    %xor3A = arith.constant 1 : i32
    %xor3A_30 = vector.broadcast %xor3A : i32 to vector<16xi32>
    %xor3A_31 = arith.xori %iota3A, %xor3A_30 : vector<16xi32>
    %xor3A_32 = arith.constant 2 : i32
    %xor3A_33 = vector.broadcast %xor3A_32 : i32 to vector<16xi32>
    %xor3A_34 = arith.xori %iota3A, %xor3A_33 : vector<16xi32>
    %xor3A_35 = arith.constant 4 : i32
    %xor3A_36 = vector.broadcast %xor3A_35 : i32 to vector<16xi32>
    %xor3A_37 = arith.xori %iota3A, %xor3A_36 : vector<16xi32>
    %xor3A_38 = arith.constant 8 : i32
    %xor3A_39 = vector.broadcast %xor3A_38 : i32 to vector<16xi32>
    %xor3A_40 = arith.xori %iota3A, %xor3A_39 : vector<16xi32>
    %eq3A = arith.constant 0 : i32
    %eq3A_41 = vector.broadcast %eq3A : i32 to vector<16xi32>
    %eq3A_42 = arith.cmpi eq, %iota3A, %eq3A_41 : vector<16xi32>
    %eq3A_43 = arith.constant 1 : i32
    %eq3A_44 = vector.broadcast %eq3A_43 : i32 to vector<16xi32>
    %eq3A_45 = arith.cmpi eq, %iota3A, %eq3A_44 : vector<16xi32>
    %eq3A_46 = arith.constant 2 : i32
    %eq3A_47 = vector.broadcast %eq3A_46 : i32 to vector<16xi32>
    %eq3A_48 = arith.cmpi eq, %iota3A, %eq3A_47 : vector<16xi32>
    %eq3A_49 = arith.constant 3 : i32
    %eq3A_50 = vector.broadcast %eq3A_49 : i32 to vector<16xi32>
    %eq3A_51 = arith.cmpi eq, %iota3A, %eq3A_50 : vector<16xi32>
    %eq3A_52 = arith.constant 4 : i32
    %eq3A_53 = vector.broadcast %eq3A_52 : i32 to vector<16xi32>
    %eq3A_54 = arith.cmpi eq, %iota3A, %eq3A_53 : vector<16xi32>
    %eq3A_55 = arith.constant 5 : i32
    %eq3A_56 = vector.broadcast %eq3A_55 : i32 to vector<16xi32>
    %eq3A_57 = arith.cmpi eq, %iota3A, %eq3A_56 : vector<16xi32>
    %eq3A_58 = arith.constant 6 : i32
    %eq3A_59 = vector.broadcast %eq3A_58 : i32 to vector<16xi32>
    %eq3A_60 = arith.cmpi eq, %iota3A, %eq3A_59 : vector<16xi32>
    %eq3A_61 = arith.constant 7 : i32
    %eq3A_62 = vector.broadcast %eq3A_61 : i32 to vector<16xi32>
    %eq3A_63 = arith.cmpi eq, %iota3A, %eq3A_62 : vector<16xi32>
    %eq3A_64 = arith.constant 8 : i32
    %eq3A_65 = vector.broadcast %eq3A_64 : i32 to vector<16xi32>
    %eq3A_66 = arith.cmpi eq, %iota3A, %eq3A_65 : vector<16xi32>
    %eq3A_67 = arith.constant 9 : i32
    %eq3A_68 = vector.broadcast %eq3A_67 : i32 to vector<16xi32>
    %eq3A_69 = arith.cmpi eq, %iota3A, %eq3A_68 : vector<16xi32>
    %eq3A_70 = arith.constant 10 : i32
    %eq3A_71 = vector.broadcast %eq3A_70 : i32 to vector<16xi32>
    %eq3A_72 = arith.cmpi eq, %iota3A, %eq3A_71 : vector<16xi32>
    %eq3A_73 = arith.constant 11 : i32
    %eq3A_74 = vector.broadcast %eq3A_73 : i32 to vector<16xi32>
    %eq3A_75 = arith.cmpi eq, %iota3A, %eq3A_74 : vector<16xi32>
    %eq3A_76 = arith.constant 12 : i32
    %eq3A_77 = vector.broadcast %eq3A_76 : i32 to vector<16xi32>
    %eq3A_78 = arith.cmpi eq, %iota3A, %eq3A_77 : vector<16xi32>
    %eq3A_79 = arith.constant 13 : i32
    %eq3A_80 = vector.broadcast %eq3A_79 : i32 to vector<16xi32>
    %eq3A_81 = arith.cmpi eq, %iota3A, %eq3A_80 : vector<16xi32>
    %eq3A_82 = arith.constant 14 : i32
    %eq3A_83 = vector.broadcast %eq3A_82 : i32 to vector<16xi32>
    %eq3A_84 = arith.cmpi eq, %iota3A, %eq3A_83 : vector<16xi32>
    %eq3A_85 = arith.constant 15 : i32
    %eq3A_86 = vector.broadcast %eq3A_85 : i32 to vector<16xi32>
    %eq3A_87 = arith.cmpi eq, %iota3A, %eq3A_86 : vector<16xi32>
    %scan3A_88 = arith.constant 0 : i32
    %scan3A_89 = arith.constant 0 : i32
    %scan3A_90 = arith.constant 32 : i32
    %scan3A_91 = arith.addi %scan3A_89, %scan3A_90 : i32
    %scan3A_92 = arith.constant 1 : i32
    %scan3A_93 = scf.for %scan3A_95 = %scan3A_89 to %scan3A_91 step %scan3A_92 iter_args(%scan3A_96 = %scan3A_88) -> (i32)  : i32 {
      %broadcast_in_dim3A_97 = arith.constant 0.000000e+00 : f32
      %broadcast_in_dim3A_98 = vector.broadcast %broadcast_in_dim3A_97 : f32 to vector<16xf32>
      %mul3A_99 = arith.constant 16 : i32
      %mul3A_100 = arith.muli %scan3A_95, %mul3A_99 : i32
      %add3A_101 = arith.constant 0 : i32
      %add3A_102 = arith.addi %mul3A_100, %add3A_101 : i32
      %get3A = arith.index_cast %add3A_102 : i32 to index
      %get3A_103 = arith.constant 0 : index
      %get3A_104 = tpu.vector_load %arg11[%get3A, %get3A_103] {strides = array<i32>} : memref<512x64xf32, #tpu.memory_space<vmem>>, vector<16xf32>,
      %get3A_105 = arith.index_cast %add3A_102 : i32 to index
      %get3A_106 = arith.constant 0 : index
      %get3A_107 = tpu.vector_load %arg12[%get3A_105, %get3A_106] {strides = array<i32>} : memref<512x64xf32, #tpu.memory_space<vmem>>, vector<16xf32>,
      %mul3A_108 = arith.mulf %get3A_104, %get3A_107 : vector<16xf32>
      %get3A_109 = arith.index_cast %add3A_102 : i32 to index
      %get3A_110 = arith.constant 16 : index
      %get3A_111 = tpu.vector_load %arg11[%get3A_109, %get3A_110] {strides = array<i32>} : memref<512x64xf32, #tpu.memory_space<vmem>>, vector<16xf32>,
      %get3A_112 = arith.index_cast %add3A_102 : i32 to index
      %get3A_113 = arith.constant 16 : index
      %get3A_114 = tpu.vector_load %arg12[%get3A_112, %get3A_113] {strides = array<i32>} : memref<512x64xf32, #tpu.memory_space<vmem>>, vector<16xf32>,
      %mul3A_115 = arith.mulf %get3A_111, %get3A_114 : vector<16xf32>
      %add3A_116 = arith.addf %mul3A_108, %mul3A_115 : vector<16xf32>
      %get3A_117 = arith.index_cast %add3A_102 : i32 to index
      %get3A_118 = arith.constant 32 : index
      %get3A_119 = tpu.vector_load %arg11[%get3A_117, %get3A_118] {strides = array<i32>} : memref<512x64xf32, #tpu.memory_space<vmem>>, vector<16xf32>,
      %get3A_120 = arith.index_cast %add3A_102 : i32 to index
      %get3A_121 = arith.constant 32 : index
      %get3A_122 = tpu.vector_load %arg12[%get3A_120, %get3A_121] {strides = array<i32>} : memref<512x64xf32, #tpu.memory_space<vmem>>, vector<16xf32>,
      %mul3A_123 = arith.mulf %get3A_119, %get3A_122 : vector<16xf32>
      %add3A_124 = arith.addf %add3A_116, %mul3A_123 : vector<16xf32>
      %get3A_125 = arith.index_cast %add3A_102 : i32 to index
      %get3A_126 = arith.constant 48 : index
      %get3A_127 = tpu.vector_load %arg11[%get3A_125, %get3A_126] {strides = array<i32>} : memref<512x64xf32, #tpu.memory_space<vmem>>, vector<16xf32>,
      %get3A_128 = arith.index_cast %add3A_102 : i32 to index
      %get3A_129 = arith.constant 48 : index
      %get3A_130 = tpu.vector_load %arg12[%get3A_128, %get3A_129] {strides = array<i32>} : memref<512x64xf32, #tpu.memory_space<vmem>>, vector<16xf32>,
      %mul3A_131 = arith.mulf %get3A_127, %get3A_130 : vector<16xf32>
      %add3A_132 = arith.addf %add3A_124, %mul3A_131 : vector<16xf32>
      %broadcast_in_dim3A_133 = vector.shape_cast %xor3A_31 : vector<16xi32> to vector<16x1xi32>
      %gather3A = vector.shape_cast %broadcast_in_dim3A_133 : vector<16x1xi32> to vector<16xi32>
      %gather3A_134 = tpu.dynamic_gather %add3A_132[%gather3A] in [0] : vector<16xf32>, vector<16xi32> -> vector<16xf32>
      %add3A_135 = arith.addf %add3A_132, %gather3A_134 : vector<16xf32>
      %broadcast_in_dim3A_136 = vector.shape_cast %xor3A_34 : vector<16xi32> to vector<16x1xi32>
      %gather3A_137 = vector.shape_cast %broadcast_in_dim3A_136 : vector<16x1xi32> to vector<16xi32>
      %gather3A_138 = tpu.dynamic_gather %add3A_135[%gather3A_137] in [0] : vector<16xf32>, vector<16xi32> -> vector<16xf32>
      %add3A_139 = arith.addf %add3A_135, %gather3A_138 : vector<16xf32>
      %broadcast_in_dim3A_140 = vector.shape_cast %xor3A_37 : vector<16xi32> to vector<16x1xi32>
      %gather3A_141 = vector.shape_cast %broadcast_in_dim3A_140 : vector<16x1xi32> to vector<16xi32>
      %gather3A_142 = tpu.dynamic_gather %add3A_139[%gather3A_141] in [0] : vector<16xf32>, vector<16xi32> -> vector<16xf32>
      %add3A_143 = arith.addf %add3A_139, %gather3A_142 : vector<16xf32>
      %broadcast_in_dim3A_144 = vector.shape_cast %xor3A_40 : vector<16xi32> to vector<16x1xi32>
      %gather3A_145 = vector.shape_cast %broadcast_in_dim3A_144 : vector<16x1xi32> to vector<16xi32>
      %gather3A_146 = tpu.dynamic_gather %add3A_143[%gather3A_145] in [0] : vector<16xf32>, vector<16xi32> -> vector<16xf32>
      %add3A_147 = arith.addf %add3A_143, %gather3A_146 : vector<16xf32>
      %select_n3A = arith.select %eq3A_42, %add3A_147, %broadcast_in_dim3A_98 : vector<16xi1>, vector<16xf32>
      %mul3A_148 = arith.constant 16 : i32
      %mul3A_149 = arith.muli %scan3A_95, %mul3A_148 : i32
      %add3A_150 = arith.constant 1 : i32
      %add3A_151 = arith.addi %mul3A_149, %add3A_150 : i32
      %get3A_152 = arith.index_cast %add3A_151 : i32 to index
      %get3A_153 = arith.constant 0 : index
      %get3A_154 = tpu.vector_load %arg11[%get3A_152, %get3A_153] {strides = array<i32>} : memref<512x64xf32, #tpu.memory_space<vmem>>, vector<16xf32>,
      %get3A_155 = arith.index_cast %add3A_151 : i32 to index
      %get3A_156 = arith.constant 0 : index
      %get3A_157 = tpu.vector_load %arg12[%get3A_155, %get3A_156] {strides = array<i32>} : memref<512x64xf32, #tpu.memory_space<vmem>>, vector<16xf32>,
      %mul3A_158 = arith.mulf %get3A_154, %get3A_157 : vector<16xf32>
      %get3A_159 = arith.index_cast %add3A_151 : i32 to index
      %get3A_160 = arith.constant 16 : index
      %get3A_161 = tpu.vector_load %arg11[%get3A_159, %get3A_160] {strides = array<i32>} : memref<512x64xf32, #tpu.memory_space<vmem>>, vector<16xf32>,
      %get3A_162 = arith.index_cast %add3A_151 : i32 to index
      %get3A_163 = arith.constant 16 : index
      %get3A_164 = tpu.vector_load %arg12[%get3A_162, %get3A_163] {strides = array<i32>} : memref<512x64xf32, #tpu.memory_space<vmem>>, vector<16xf32>,
      %mul3A_165 = arith.mulf %get3A_161, %get3A_164 : vector<16xf32>
      %add3A_166 = arith.addf %mul3A_158, %mul3A_165 : vector<16xf32>
      %get3A_167 = arith.index_cast %add3A_151 : i32 to index
      %get3A_168 = arith.constant 32 : index
      %get3A_169 = tpu.vector_load %arg11[%get3A_167, %get3A_168] {strides = array<i32>} : memref<512x64xf32, #tpu.memory_space<vmem>>, vector<16xf32>,
      %get3A_170 = arith.index_cast %add3A_151 : i32 to index
      %get3A_171 = arith.constant 32 : index
      %get3A_172 = tpu.vector_load %arg12[%get3A_170, %get3A_171] {strides = array<i32>} : memref<512x64xf32, #tpu.memory_space<vmem>>, vector<16xf32>,
      %mul3A_173 = arith.mulf %get3A_169, %get3A_172 : vector<16xf32>
      %add3A_174 = arith.addf %add3A_166, %mul3A_173 : vector<16xf32>
      %get3A_175 = arith.index_cast %add3A_151 : i32 to index
      %get3A_176 = arith.constant 48 : index
      %get3A_177 = tpu.vector_load %arg11[%get3A_175, %get3A_176] {strides = array<i32>} : memref<512x64xf32, #tpu.memory_space<vmem>>, vector<16xf32>,
      %get3A_178 = arith.index_cast %add3A_151 : i32 to index
      %get3A_179 = arith.constant 48 : index
      %get3A_180 = tpu.vector_load %arg12[%get3A_178, %get3A_179] {strides = array<i32>} : memref<512x64xf32, #tpu.memory_space<vmem>>, vector<16xf32>,
      %mul3A_181 = arith.mulf %get3A_177, %get3A_180 : vector<16xf32>
      %add3A_182 = arith.addf %add3A_174, %mul3A_181 : vector<16xf32>
      %broadcast_in_dim3A_183 = vector.shape_cast %xor3A_31 : vector<16xi32> to vector<16x1xi32>
      %gather3A_184 = vector.shape_cast %broadcast_in_dim3A_183 : vector<16x1xi32> to vector<16xi32>
      %gather3A_185 = tpu.dynamic_gather %add3A_182[%gather3A_184] in [0] : vector<16xf32>, vector<16xi32> -> vector<16xf32>
      %add3A_186 = arith.addf %add3A_182, %gather3A_185 : vector<16xf32>
      %broadcast_in_dim3A_187 = vector.shape_cast %xor3A_34 : vector<16xi32> to vector<16x1xi32>
      %gather3A_188 = vector.shape_cast %broadcast_in_dim3A_187 : vector<16x1xi32> to vector<16xi32>
      %gather3A_189 = tpu.dynamic_gather %add3A_186[%gather3A_188] in [0] : vector<16xf32>, vector<16xi32> -> vector<16xf32>
      %add3A_190 = arith.addf %add3A_186, %gather3A_189 : vector<16xf32>
      %broadcast_in_dim3A_191 = vector.shape_cast %xor3A_37 : vector<16xi32> to vector<16x1xi32>
      %gather3A_192 = vector.shape_cast %broadcast_in_dim3A_191 : vector<16x1xi32> to vector<16xi32>
      %gather3A_193 = tpu.dynamic_gather %add3A_190[%gather3A_192] in [0] : vector<16xf32>, vector<16xi32> -> vector<16xf32>
      %add3A_194 = arith.addf %add3A_190, %gather3A_193 : vector<16xf32>
      %broadcast_in_dim3A_195 = vector.shape_cast %xor3A_40 : vector<16xi32> to vector<16x1xi32>
      %gather3A_196 = vector.shape_cast %broadcast_in_dim3A_195 : vector<16x1xi32> to vector<16xi32>
      %gather3A_197 = tpu.dynamic_gather %add3A_194[%gather3A_196] in [0] : vector<16xf32>, vector<16xi32> -> vector<16xf32>
      %add3A_198 = arith.addf %add3A_194, %gather3A_197 : vector<16xf32>
      %select_n3A_199 = arith.select %eq3A_45, %add3A_198, %select_n3A : vector<16xi1>, vector<16xf32>
      %mul3A_200 = arith.constant 16 : i32
      %mul3A_201 = arith.muli %scan3A_95, %mul3A_200 : i32
      %add3A_202 = arith.constant 2 : i32
      %add3A_203 = arith.addi %mul3A_201, %add3A_202 : i32
      %get3A_204 = arith.index_cast %add3A_203 : i32 to index
      %get3A_205 = arith.constant 0 : index
      %get3A_206 = tpu.vector_load %arg11[%get3A_204, %get3A_205] {strides = array<i32>} : memref<512x64xf32, #tpu.memory_space<vmem>>, vector<16xf32>,
      %get3A_207 = arith.index_cast %add3A_203 : i32 to index
      %get3A_208 = arith.constant 0 : index
      %get3A_209 = tpu.vector_load %arg12[%get3A_207, %get3A_208] {strides = array<i32>} : memref<512x64xf32, #tpu.memory_space<vmem>>, vector<16xf32>,
      %mul3A_210 = arith.mulf %get3A_206, %get3A_209 : vector<16xf32>
      %get3A_211 = arith.index_cast %add3A_203 : i32 to index
      %get3A_212 = arith.constant 16 : index
      %get3A_213 = tpu.vector_load %arg11[%get3A_211, %get3A_212] {strides = array<i32>} : memref<512x64xf32, #tpu.memory_space<vmem>>, vector<16xf32>,
      %get3A_214 = arith.index_cast %add3A_203 : i32 to index
      %get3A_215 = arith.constant 16 : index
      %get3A_216 = tpu.vector_load %arg12[%get3A_214, %get3A_215] {strides = array<i32>} : memref<512x64xf32, #tpu.memory_space<vmem>>, vector<16xf32>,
      %mul3A_217 = arith.mulf %get3A_213, %get3A_216 : vector<16xf32>
      %add3A_218 = arith.addf %mul3A_210, %mul3A_217 : vector<16xf32>
      %get3A_219 = arith.index_cast %add3A_203 : i32 to index
      %get3A_220 = arith.constant 32 : index
      %get3A_221 = tpu.vector_load %arg11[%get3A_219, %get3A_220] {strides = array<i32>} : memref<512x64xf32, #tpu.memory_space<vmem>>, vector<16xf32>,
      %get3A_222 = arith.index_cast %add3A_203 : i32 to index
      %get3A_223 = arith.constant 32 : index
      %get3A_224 = tpu.vector_load %arg12[%get3A_222, %get3A_223] {strides = array<i32>} : memref<512x64xf32, #tpu.memory_space<vmem>>, vector<16xf32>,
      %mul3A_225 = arith.mulf %get3A_221, %get3A_224 : vector<16xf32>
      %add3A_226 = arith.addf %add3A_218, %mul3A_225 : vector<16xf32>
      %get3A_227 = arith.index_cast %add3A_203 : i32 to index
      %get3A_228 = arith.constant 48 : index
      %get3A_229 = tpu.vector_load %arg11[%get3A_227, %get3A_228] {strides = array<i32>} : memref<512x64xf32, #tpu.memory_space<vmem>>, vector<16xf32>,
      %get3A_230 = arith.index_cast %add3A_203 : i32 to index
      %get3A_231 = arith.constant 48 : index
      %get3A_232 = tpu.vector_load %arg12[%get3A_230, %get3A_231] {strides = array<i32>} : memref<512x64xf32, #tpu.memory_space<vmem>>, vector<16xf32>,
      %mul3A_233 = arith.mulf %get3A_229, %get3A_232 : vector<16xf32>
      %add3A_234 = arith.addf %add3A_226, %mul3A_233 : vector<16xf32>
      %broadcast_in_dim3A_235 = vector.shape_cast %xor3A_31 : vector<16xi32> to vector<16x1xi32>
      %gather3A_236 = vector.shape_cast %broadcast_in_dim3A_235 : vector<16x1xi32> to vector<16xi32>
      %gather3A_237 = tpu.dynamic_gather %add3A_234[%gather3A_236] in [0] : vector<16xf32>, vector<16xi32> -> vector<16xf32>
      %add3A_238 = arith.addf %add3A_234, %gather3A_237 : vector<16xf32>
      %broadcast_in_dim3A_239 = vector.shape_cast %xor3A_34 : vector<16xi32> to vector<16x1xi32>
      %gather3A_240 = vector.shape_cast %broadcast_in_dim3A_239 : vector<16x1xi32> to vector<16xi32>
      %gather3A_241 = tpu.dynamic_gather %add3A_238[%gather3A_240] in [0] : vector<16xf32>, vector<16xi32> -> vector<16xf32>
      %add3A_242 = arith.addf %add3A_238, %gather3A_241 : vector<16xf32>
      %broadcast_in_dim3A_243 = vector.shape_cast %xor3A_37 : vector<16xi32> to vector<16x1xi32>
      %gather3A_244 = vector.shape_cast %broadcast_in_dim3A_243 : vector<16x1xi32> to vector<16xi32>
      %gather3A_245 = tpu.dynamic_gather %add3A_242[%gather3A_244] in [0] : vector<16xf32>, vector<16xi32> -> vector<16xf32>
      %add3A_246 = arith.addf %add3A_242, %gather3A_245 : vector<16xf32>
      %broadcast_in_dim3A_247 = vector.shape_cast %xor3A_40 : vector<16xi32> to vector<16x1xi32>
      %gather3A_248 = vector.shape_cast %broadcast_in_dim3A_247 : vector<16x1xi32> to vector<16xi32>
      %gather3A_249 = tpu.dynamic_gather %add3A_246[%gather3A_248] in [0] : vector<16xf32>, vector<16xi32> -> vector<16xf32>
      %add3A_250 = arith.addf %add3A_246, %gather3A_249 : vector<16xf32>
      %select_n3A_251 = arith.select %eq3A_48, %add3A_250, %select_n3A_199 : vector<16xi1>, vector<16xf32>
      %mul3A_252 = arith.constant 16 : i32
      %mul3A_253 = arith.muli %scan3A_95, %mul3A_252 : i32
      %add3A_254 = arith.constant 3 : i32
      %add3A_255 = arith.addi %mul3A_253, %add3A_254 : i32
      %get3A_256 = arith.index_cast %add3A_255 : i32 to index
      %get3A_257 = arith.constant 0 : index
      %get3A_258 = tpu.vector_load %arg11[%get3A_256, %get3A_257] {strides = array<i32>} : memref<512x64xf32, #tpu.memory_space<vmem>>, vector<16xf32>,
      %get3A_259 = arith.index_cast %add3A_255 : i32 to index
      %get3A_260 = arith.constant 0 : index
      %get3A_261 = tpu.vector_load %arg12[%get3A_259, %get3A_260] {strides = array<i32>} : memref<512x64xf32, #tpu.memory_space<vmem>>, vector<16xf32>,
      %mul3A_262 = arith.mulf %get3A_258, %get3A_261 : vector<16xf32>
      %get3A_263 = arith.index_cast %add3A_255 : i32 to index
      %get3A_264 = arith.constant 16 : index
      %get3A_265 = tpu.vector_load %arg11[%get3A_263, %get3A_264] {strides = array<i32>} : memref<512x64xf32, #tpu.memory_space<vmem>>, vector<16xf32>,
      %get3A_266 = arith.index_cast %add3A_255 : i32 to index
      %get3A_267 = arith.constant 16 : index
      %get3A_268 = tpu.vector_load %arg12[%get3A_266, %get3A_267] {strides = array<i32>} : memref<512x64xf32, #tpu.memory_space<vmem>>, vector<16xf32>,
      %mul3A_269 = arith.mulf %get3A_265, %get3A_268 : vector<16xf32>
      %add3A_270 = arith.addf %mul3A_262, %mul3A_269 : vector<16xf32>
      %get3A_271 = arith.index_cast %add3A_255 : i32 to index
      %get3A_272 = arith.constant 32 : index
      %get3A_273 = tpu.vector_load %arg11[%get3A_271, %get3A_272] {strides = array<i32>} : memref<512x64xf32, #tpu.memory_space<vmem>>, vector<16xf32>,
      %get3A_274 = arith.index_cast %add3A_255 : i32 to index
      %get3A_275 = arith.constant 32 : index
      %get3A_276 = tpu.vector_load %arg12[%get3A_274, %get3A_275] {strides = array<i32>} : memref<512x64xf32, #tpu.memory_space<vmem>>, vector<16xf32>,
      %mul3A_277 = arith.mulf %get3A_273, %get3A_276 : vector<16xf32>
      %add3A_278 = arith.addf %add3A_270, %mul3A_277 : vector<16xf32>
      %get3A_279 = arith.index_cast %add3A_255 : i32 to index
      %get3A_280 = arith.constant 48 : index
      %get3A_281 = tpu.vector_load %arg11[%get3A_279, %get3A_280] {strides = array<i32>} : memref<512x64xf32, #tpu.memory_space<vmem>>, vector<16xf32>,
      %get3A_282 = arith.index_cast %add3A_255 : i32 to index
      %get3A_283 = arith.constant 48 : index
      %get3A_284 = tpu.vector_load %arg12[%get3A_282, %get3A_283] {strides = array<i32>} : memref<512x64xf32, #tpu.memory_space<vmem>>, vector<16xf32>,
      %mul3A_285 = arith.mulf %get3A_281, %get3A_284 : vector<16xf32>
      %add3A_286 = arith.addf %add3A_278, %mul3A_285 : vector<16xf32>
      %broadcast_in_dim3A_287 = vector.shape_cast %xor3A_31 : vector<16xi32> to vector<16x1xi32>
      %gather3A_288 = vector.shape_cast %broadcast_in_dim3A_287 : vector<16x1xi32> to vector<16xi32>
      %gather3A_289 = tpu.dynamic_gather %add3A_286[%gather3A_288] in [0] : vector<16xf32>, vector<16xi32> -> vector<16xf32>
      %add3A_290 = arith.addf %add3A_286, %gather3A_289 : vector<16xf32>
      %broadcast_in_dim3A_291 = vector.shape_cast %xor3A_34 : vector<16xi32> to vector<16x1xi32>
      %gather3A_292 = vector.shape_cast %broadcast_in_dim3A_291 : vector<16x1xi32> to vector<16xi32>
      %gather3A_293 = tpu.dynamic_gather %add3A_290[%gather3A_292] in [0] : vector<16xf32>, vector<16xi32> -> vector<16xf32>
      %add3A_294 = arith.addf %add3A_290, %gather3A_293 : vector<16xf32>
      %broadcast_in_dim3A_295 = vector.shape_cast %xor3A_37 : vector<16xi32> to vector<16x1xi32>
      %gather3A_296 = vector.shape_cast %broadcast_in_dim3A_295 : vector<16x1xi32> to vector<16xi32>
      %gather3A_297 = tpu.dynamic_gather %add3A_294[%gather3A_296] in [0] : vector<16xf32>, vector<16xi32> -> vector<16xf32>
      %add3A_298 = arith.addf %add3A_294, %gather3A_297 : vector<16xf32>
      %broadcast_in_dim3A_299 = vector.shape_cast %xor3A_40 : vector<16xi32> to vector<16x1xi32>
      %gather3A_300 = vector.shape_cast %broadcast_in_dim3A_299 : vector<16x1xi32> to vector<16xi32>
      %gather3A_301 = tpu.dynamic_gather %add3A_298[%gather3A_300] in [0] : vector<16xf32>, vector<16xi32> -> vector<16xf32>
      %add3A_302 = arith.addf %add3A_298, %gather3A_301 : vector<16xf32>
      %select_n3A_303 = arith.select %eq3A_51, %add3A_302, %select_n3A_251 : vector<16xi1>, vector<16xf32>
      %mul3A_304 = arith.constant 16 : i32
      %mul3A_305 = arith.muli %scan3A_95, %mul3A_304 : i32
      %add3A_306 = arith.constant 4 : i32
      %add3A_307 = arith.addi %mul3A_305, %add3A_306 : i32
      %get3A_308 = arith.index_cast %add3A_307 : i32 to index
      %get3A_309 = arith.constant 0 : index
      %get3A_310 = tpu.vector_load %arg11[%get3A_308, %get3A_309] {strides = array<i32>} : memref<512x64xf32, #tpu.memory_space<vmem>>, vector<16xf32>,
      %get3A_311 = arith.index_cast %add3A_307 : i32 to index
      %get3A_312 = arith.constant 0 : index
      %get3A_313 = tpu.vector_load %arg12[%get3A_311, %get3A_312] {strides = array<i32>} : memref<512x64xf32, #tpu.memory_space<vmem>>, vector<16xf32>,
      %mul3A_314 = arith.mulf %get3A_310, %get3A_313 : vector<16xf32>
      %get3A_315 = arith.index_cast %add3A_307 : i32 to index
      %get3A_316 = arith.constant 16 : index
      %get3A_317 = tpu.vector_load %arg11[%get3A_315, %get3A_316] {strides = array<i32>} : memref<512x64xf32, #tpu.memory_space<vmem>>, vector<16xf32>,
      %get3A_318 = arith.index_cast %add3A_307 : i32 to index
      %get3A_319 = arith.constant 16 : index
      %get3A_320 = tpu.vector_load %arg12[%get3A_318, %get3A_319] {strides = array<i32>} : memref<512x64xf32, #tpu.memory_space<vmem>>, vector<16xf32>,
      %mul3A_321 = arith.mulf %get3A_317, %get3A_320 : vector<16xf32>
      %add3A_322 = arith.addf %mul3A_314, %mul3A_321 : vector<16xf32>
      %get3A_323 = arith.index_cast %add3A_307 : i32 to index
      %get3A_324 = arith.constant 32 : index
      %get3A_325 = tpu.vector_load %arg11[%get3A_323, %get3A_324] {strides = array<i32>} : memref<512x64xf32, #tpu.memory_space<vmem>>, vector<16xf32>,
      %get3A_326 = arith.index_cast %add3A_307 : i32 to index
      %get3A_327 = arith.constant 32 : index
      %get3A_328 = tpu.vector_load %arg12[%get3A_326, %get3A_327] {strides = array<i32>} : memref<512x64xf32, #tpu.memory_space<vmem>>, vector<16xf32>,
      %mul3A_329 = arith.mulf %get3A_325, %get3A_328 : vector<16xf32>
      %add3A_330 = arith.addf %add3A_322, %mul3A_329 : vector<16xf32>
      %get3A_331 = arith.index_cast %add3A_307 : i32 to index
      %get3A_332 = arith.constant 48 : index
      %get3A_333 = tpu.vector_load %arg11[%get3A_331, %get3A_332] {strides = array<i32>} : memref<512x64xf32, #tpu.memory_space<vmem>>, vector<16xf32>,
      %get3A_334 = arith.index_cast %add3A_307 : i32 to index
      %get3A_335 = arith.constant 48 : index
      %get3A_336 = tpu.vector_load %arg12[%get3A_334, %get3A_335] {strides = array<i32>} : memref<512x64xf32, #tpu.memory_space<vmem>>, vector<16xf32>,
      %mul3A_337 = arith.mulf %get3A_333, %get3A_336 : vector<16xf32>
      %add3A_338 = arith.addf %add3A_330, %mul3A_337 : vector<16xf32>
      %broadcast_in_dim3A_339 = vector.shape_cast %xor3A_31 : vector<16xi32> to vector<16x1xi32>
      %gather3A_340 = vector.shape_cast %broadcast_in_dim3A_339 : vector<16x1xi32> to vector<16xi32>
      %gather3A_341 = tpu.dynamic_gather %add3A_338[%gather3A_340] in [0] : vector<16xf32>, vector<16xi32> -> vector<16xf32>
      %add3A_342 = arith.addf %add3A_338, %gather3A_341 : vector<16xf32>
      %broadcast_in_dim3A_343 = vector.shape_cast %xor3A_34 : vector<16xi32> to vector<16x1xi32>
      %gather3A_344 = vector.shape_cast %broadcast_in_dim3A_343 : vector<16x1xi32> to vector<16xi32>
      %gather3A_345 = tpu.dynamic_gather %add3A_342[%gather3A_344] in [0] : vector<16xf32>, vector<16xi32> -> vector<16xf32>
      %add3A_346 = arith.addf %add3A_342, %gather3A_345 : vector<16xf32>
      %broadcast_in_dim3A_347 = vector.shape_cast %xor3A_37 : vector<16xi32> to vector<16x1xi32>
      %gather3A_348 = vector.shape_cast %broadcast_in_dim3A_347 : vector<16x1xi32> to vector<16xi32>
      %gather3A_349 = tpu.dynamic_gather %add3A_346[%gather3A_348] in [0] : vector<16xf32>, vector<16xi32> -> vector<16xf32>
      %add3A_350 = arith.addf %add3A_346, %gather3A_349 : vector<16xf32>
      %broadcast_in_dim3A_351 = vector.shape_cast %xor3A_40 : vector<16xi32> to vector<16x1xi32>
      %gather3A_352 = vector.shape_cast %broadcast_in_dim3A_351 : vector<16x1xi32> to vector<16xi32>
      %gather3A_353 = tpu.dynamic_gather %add3A_350[%gather3A_352] in [0] : vector<16xf32>, vector<16xi32> -> vector<16xf32>
      %add3A_354 = arith.addf %add3A_350, %gather3A_353 : vector<16xf32>
      %select_n3A_355 = arith.select %eq3A_54, %add3A_354, %select_n3A_303 : vector<16xi1>, vector<16xf32>
      %mul3A_356 = arith.constant 16 : i32
      %mul3A_357 = arith.muli %scan3A_95, %mul3A_356 : i32
      %add3A_358 = arith.constant 5 : i32
      %add3A_359 = arith.addi %mul3A_357, %add3A_358 : i32
      %get3A_360 = arith.index_cast %add3A_359 : i32 to index
      %get3A_361 = arith.constant 0 : index
      %get3A_362 = tpu.vector_load %arg11[%get3A_360, %get3A_361] {strides = array<i32>} : memref<512x64xf32, #tpu.memory_space<vmem>>, vector<16xf32>,
      %get3A_363 = arith.index_cast %add3A_359 : i32 to index
      %get3A_364 = arith.constant 0 : index
      %get3A_365 = tpu.vector_load %arg12[%get3A_363, %get3A_364] {strides = array<i32>} : memref<512x64xf32, #tpu.memory_space<vmem>>, vector<16xf32>,
      %mul3A_366 = arith.mulf %get3A_362, %get3A_365 : vector<16xf32>
      %get3A_367 = arith.index_cast %add3A_359 : i32 to index
      %get3A_368 = arith.constant 16 : index
      %get3A_369 = tpu.vector_load %arg11[%get3A_367, %get3A_368] {strides = array<i32>} : memref<512x64xf32, #tpu.memory_space<vmem>>, vector<16xf32>,
      %get3A_370 = arith.index_cast %add3A_359 : i32 to index
      %get3A_371 = arith.constant 16 : index
      %get3A_372 = tpu.vector_load %arg12[%get3A_370, %get3A_371] {strides = array<i32>} : memref<512x64xf32, #tpu.memory_space<vmem>>, vector<16xf32>,
      %mul3A_373 = arith.mulf %get3A_369, %get3A_372 : vector<16xf32>
      %add3A_374 = arith.addf %mul3A_366, %mul3A_373 : vector<16xf32>
      %get3A_375 = arith.index_cast %add3A_359 : i32 to index
      %get3A_376 = arith.constant 32 : index
      %get3A_377 = tpu.vector_load %arg11[%get3A_375, %get3A_376] {strides = array<i32>} : memref<512x64xf32, #tpu.memory_space<vmem>>, vector<16xf32>,
      %get3A_378 = arith.index_cast %add3A_359 : i32 to index
      %get3A_379 = arith.constant 32 : index
      %get3A_380 = tpu.vector_load %arg12[%get3A_378, %get3A_379] {strides = array<i32>} : memref<512x64xf32, #tpu.memory_space<vmem>>, vector<16xf32>,
      %mul3A_381 = arith.mulf %get3A_377, %get3A_380 : vector<16xf32>
      %add3A_382 = arith.addf %add3A_374, %mul3A_381 : vector<16xf32>
      %get3A_383 = arith.index_cast %add3A_359 : i32 to index
      %get3A_384 = arith.constant 48 : index
      %get3A_385 = tpu.vector_load %arg11[%get3A_383, %get3A_384] {strides = array<i32>} : memref<512x64xf32, #tpu.memory_space<vmem>>, vector<16xf32>,
      %get3A_386 = arith.index_cast %add3A_359 : i32 to index
      %get3A_387 = arith.constant 48 : index
      %get3A_388 = tpu.vector_load %arg12[%get3A_386, %get3A_387] {strides = array<i32>} : memref<512x64xf32, #tpu.memory_space<vmem>>, vector<16xf32>,
      %mul3A_389 = arith.mulf %get3A_385, %get3A_388 : vector<16xf32>
      %add3A_390 = arith.addf %add3A_382, %mul3A_389 : vector<16xf32>
      %broadcast_in_dim3A_391 = vector.shape_cast %xor3A_31 : vector<16xi32> to vector<16x1xi32>
      %gather3A_392 = vector.shape_cast %broadcast_in_dim3A_391 : vector<16x1xi32> to vector<16xi32>
      %gather3A_393 = tpu.dynamic_gather %add3A_390[%gather3A_392] in [0] : vector<16xf32>, vector<16xi32> -> vector<16xf32>
      %add3A_394 = arith.addf %add3A_390, %gather3A_393 : vector<16xf32>
      %broadcast_in_dim3A_395 = vector.shape_cast %xor3A_34 : vector<16xi32> to vector<16x1xi32>
      %gather3A_396 = vector.shape_cast %broadcast_in_dim3A_395 : vector<16x1xi32> to vector<16xi32>
      %gather3A_397 = tpu.dynamic_gather %add3A_394[%gather3A_396] in [0] : vector<16xf32>, vector<16xi32> -> vector<16xf32>
      %add3A_398 = arith.addf %add3A_394, %gather3A_397 : vector<16xf32>
      %broadcast_in_dim3A_399 = vector.shape_cast %xor3A_37 : vector<16xi32> to vector<16x1xi32>
      %gather3A_400 = vector.shape_cast %broadcast_in_dim3A_399 : vector<16x1xi32> to vector<16xi32>
      %gather3A_401 = tpu.dynamic_gather %add3A_398[%gather3A_400] in [0] : vector<16xf32>, vector<16xi32> -> vector<16xf32>
      %add3A_402 = arith.addf %add3A_398, %gather3A_401 : vector<16xf32>
      %broadcast_in_dim3A_403 = vector.shape_cast %xor3A_40 : vector<16xi32> to vector<16x1xi32>
      %gather3A_404 = vector.shape_cast %broadcast_in_dim3A_403 : vector<16x1xi32> to vector<16xi32>
      %gather3A_405 = tpu.dynamic_gather %add3A_402[%gather3A_404] in [0] : vector<16xf32>, vector<16xi32> -> vector<16xf32>
      %add3A_406 = arith.addf %add3A_402, %gather3A_405 : vector<16xf32>
      %select_n3A_407 = arith.select %eq3A_57, %add3A_406, %select_n3A_355 : vector<16xi1>, vector<16xf32>
      %mul3A_408 = arith.constant 16 : i32
      %mul3A_409 = arith.muli %scan3A_95, %mul3A_408 : i32
      %add3A_410 = arith.constant 6 : i32
      %add3A_411 = arith.addi %mul3A_409, %add3A_410 : i32
      %get3A_412 = arith.index_cast %add3A_411 : i32 to index
      %get3A_413 = arith.constant 0 : index
      %get3A_414 = tpu.vector_load %arg11[%get3A_412, %get3A_413] {strides = array<i32>} : memref<512x64xf32, #tpu.memory_space<vmem>>, vector<16xf32>,
      %get3A_415 = arith.index_cast %add3A_411 : i32 to index
      %get3A_416 = arith.constant 0 : index
      %get3A_417 = tpu.vector_load %arg12[%get3A_415, %get3A_416] {strides = array<i32>} : memref<512x64xf32, #tpu.memory_space<vmem>>, vector<16xf32>,
      %mul3A_418 = arith.mulf %get3A_414, %get3A_417 : vector<16xf32>
      %get3A_419 = arith.index_cast %add3A_411 : i32 to index
      %get3A_420 = arith.constant 16 : index
      %get3A_421 = tpu.vector_load %arg11[%get3A_419, %get3A_420] {strides = array<i32>} : memref<512x64xf32, #tpu.memory_space<vmem>>, vector<16xf32>,
      %get3A_422 = arith.index_cast %add3A_411 : i32 to index
      %get3A_423 = arith.constant 16 : index
      %get3A_424 = tpu.vector_load %arg12[%get3A_422, %get3A_423] {strides = array<i32>} : memref<512x64xf32, #tpu.memory_space<vmem>>, vector<16xf32>,
      %mul3A_425 = arith.mulf %get3A_421, %get3A_424 : vector<16xf32>
      %add3A_426 = arith.addf %mul3A_418, %mul3A_425 : vector<16xf32>
      %get3A_427 = arith.index_cast %add3A_411 : i32 to index
      %get3A_428 = arith.constant 32 : index
      %get3A_429 = tpu.vector_load %arg11[%get3A_427, %get3A_428] {strides = array<i32>} : memref<512x64xf32, #tpu.memory_space<vmem>>, vector<16xf32>,
      %get3A_430 = arith.index_cast %add3A_411 : i32 to index
      %get3A_431 = arith.constant 32 : index
      %get3A_432 = tpu.vector_load %arg12[%get3A_430, %get3A_431] {strides = array<i32>} : memref<512x64xf32, #tpu.memory_space<vmem>>, vector<16xf32>,
      %mul3A_433 = arith.mulf %get3A_429, %get3A_432 : vector<16xf32>
      %add3A_434 = arith.addf %add3A_426, %mul3A_433 : vector<16xf32>
      %get3A_435 = arith.index_cast %add3A_411 : i32 to index
      %get3A_436 = arith.constant 48 : index
      %get3A_437 = tpu.vector_load %arg11[%get3A_435, %get3A_436] {strides = array<i32>} : memref<512x64xf32, #tpu.memory_space<vmem>>, vector<16xf32>,
      %get3A_438 = arith.index_cast %add3A_411 : i32 to index
      %get3A_439 = arith.constant 48 : index
      %get3A_440 = tpu.vector_load %arg12[%get3A_438, %get3A_439] {strides = array<i32>} : memref<512x64xf32, #tpu.memory_space<vmem>>, vector<16xf32>,
      %mul3A_441 = arith.mulf %get3A_437, %get3A_440 : vector<16xf32>
      %add3A_442 = arith.addf %add3A_434, %mul3A_441 : vector<16xf32>
      %broadcast_in_dim3A_443 = vector.shape_cast %xor3A_31 : vector<16xi32> to vector<16x1xi32>
      %gather3A_444 = vector.shape_cast %broadcast_in_dim3A_443 : vector<16x1xi32> to vector<16xi32>
      %gather3A_445 = tpu.dynamic_gather %add3A_442[%gather3A_444] in [0] : vector<16xf32>, vector<16xi32> -> vector<16xf32>
      %add3A_446 = arith.addf %add3A_442, %gather3A_445 : vector<16xf32>
      %broadcast_in_dim3A_447 = vector.shape_cast %xor3A_34 : vector<16xi32> to vector<16x1xi32>
      %gather3A_448 = vector.shape_cast %broadcast_in_dim3A_447 : vector<16x1xi32> to vector<16xi32>
      %gather3A_449 = tpu.dynamic_gather %add3A_446[%gather3A_448] in [0] : vector<16xf32>, vector<16xi32> -> vector<16xf32>
      %add3A_450 = arith.addf %add3A_446, %gather3A_449 : vector<16xf32>
      %broadcast_in_dim3A_451 = vector.shape_cast %xor3A_37 : vector<16xi32> to vector<16x1xi32>
      %gather3A_452 = vector.shape_cast %broadcast_in_dim3A_451 : vector<16x1xi32> to vector<16xi32>
      %gather3A_453 = tpu.dynamic_gather %add3A_450[%gather3A_452] in [0] : vector<16xf32>, vector<16xi32> -> vector<16xf32>
      %add3A_454 = arith.addf %add3A_450, %gather3A_453 : vector<16xf32>
      %broadcast_in_dim3A_455 = vector.shape_cast %xor3A_40 : vector<16xi32> to vector<16x1xi32>
      %gather3A_456 = vector.shape_cast %broadcast_in_dim3A_455 : vector<16x1xi32> to vector<16xi32>
      %gather3A_457 = tpu.dynamic_gather %add3A_454[%gather3A_456] in [0] : vector<16xf32>, vector<16xi32> -> vector<16xf32>
      %add3A_458 = arith.addf %add3A_454, %gather3A_457 : vector<16xf32>
      %select_n3A_459 = arith.select %eq3A_60, %add3A_458, %select_n3A_407 : vector<16xi1>, vector<16xf32>
      %mul3A_460 = arith.constant 16 : i32
      %mul3A_461 = arith.muli %scan3A_95, %mul3A_460 : i32
      %add3A_462 = arith.constant 7 : i32
      %add3A_463 = arith.addi %mul3A_461, %add3A_462 : i32
      %get3A_464 = arith.index_cast %add3A_463 : i32 to index
      %get3A_465 = arith.constant 0 : index
      %get3A_466 = tpu.vector_load %arg11[%get3A_464, %get3A_465] {strides = array<i32>} : memref<512x64xf32, #tpu.memory_space<vmem>>, vector<16xf32>,
      %get3A_467 = arith.index_cast %add3A_463 : i32 to index
      %get3A_468 = arith.constant 0 : index
      %get3A_469 = tpu.vector_load %arg12[%get3A_467, %get3A_468] {strides = array<i32>} : memref<512x64xf32, #tpu.memory_space<vmem>>, vector<16xf32>,
      %mul3A_470 = arith.mulf %get3A_466, %get3A_469 : vector<16xf32>
      %get3A_471 = arith.index_cast %add3A_463 : i32 to index
      %get3A_472 = arith.constant 16 : index
      %get3A_473 = tpu.vector_load %arg11[%get3A_471, %get3A_472] {strides = array<i32>} : memref<512x64xf32, #tpu.memory_space<vmem>>, vector<16xf32>,
      %get3A_474 = arith.index_cast %add3A_463 : i32 to index
      %get3A_475 = arith.constant 16 : index
      %get3A_476 = tpu.vector_load %arg12[%get3A_474, %get3A_475] {strides = array<i32>} : memref<512x64xf32, #tpu.memory_space<vmem>>, vector<16xf32>,
      %mul3A_477 = arith.mulf %get3A_473, %get3A_476 : vector<16xf32>
      %add3A_478 = arith.addf %mul3A_470, %mul3A_477 : vector<16xf32>
      %get3A_479 = arith.index_cast %add3A_463 : i32 to index
      %get3A_480 = arith.constant 32 : index
      %get3A_481 = tpu.vector_load %arg11[%get3A_479, %get3A_480] {strides = array<i32>} : memref<512x64xf32, #tpu.memory_space<vmem>>, vector<16xf32>,
      %get3A_482 = arith.index_cast %add3A_463 : i32 to index
      %get3A_483 = arith.constant 32 : index
      %get3A_484 = tpu.vector_load %arg12[%get3A_482, %get3A_483] {strides = array<i32>} : memref<512x64xf32, #tpu.memory_space<vmem>>, vector<16xf32>,
      %mul3A_485 = arith.mulf %get3A_481, %get3A_484 : vector<16xf32>
      %add3A_486 = arith.addf %add3A_478, %mul3A_485 : vector<16xf32>
      %get3A_487 = arith.index_cast %add3A_463 : i32 to index
      %get3A_488 = arith.constant 48 : index
      %get3A_489 = tpu.vector_load %arg11[%get3A_487, %get3A_488] {strides = array<i32>} : memref<512x64xf32, #tpu.memory_space<vmem>>, vector<16xf32>,
      %get3A_490 = arith.index_cast %add3A_463 : i32 to index
      %get3A_491 = arith.constant 48 : index
      %get3A_492 = tpu.vector_load %arg12[%get3A_490, %get3A_491] {strides = array<i32>} : memref<512x64xf32, #tpu.memory_space<vmem>>, vector<16xf32>,
      %mul3A_493 = arith.mulf %get3A_489, %get3A_492 : vector<16xf32>
      %add3A_494 = arith.addf %add3A_486, %mul3A_493 : vector<16xf32>
      %broadcast_in_dim3A_495 = vector.shape_cast %xor3A_31 : vector<16xi32> to vector<16x1xi32>
      %gather3A_496 = vector.shape_cast %broadcast_in_dim3A_495 : vector<16x1xi32> to vector<16xi32>
      %gather3A_497 = tpu.dynamic_gather %add3A_494[%gather3A_496] in [0] : vector<16xf32>, vector<16xi32> -> vector<16xf32>
      %add3A_498 = arith.addf %add3A_494, %gather3A_497 : vector<16xf32>
      %broadcast_in_dim3A_499 = vector.shape_cast %xor3A_34 : vector<16xi32> to vector<16x1xi32>
      %gather3A_500 = vector.shape_cast %broadcast_in_dim3A_499 : vector<16x1xi32> to vector<16xi32>
      %gather3A_501 = tpu.dynamic_gather %add3A_498[%gather3A_500] in [0] : vector<16xf32>, vector<16xi32> -> vector<16xf32>
      %add3A_502 = arith.addf %add3A_498, %gather3A_501 : vector<16xf32>
      %broadcast_in_dim3A_503 = vector.shape_cast %xor3A_37 : vector<16xi32> to vector<16x1xi32>
      %gather3A_504 = vector.shape_cast %broadcast_in_dim3A_503 : vector<16x1xi32> to vector<16xi32>
      %gather3A_505 = tpu.dynamic_gather %add3A_502[%gather3A_504] in [0] : vector<16xf32>, vector<16xi32> -> vector<16xf32>
      %add3A_506 = arith.addf %add3A_502, %gather3A_505 : vector<16xf32>
      %broadcast_in_dim3A_507 = vector.shape_cast %xor3A_40 : vector<16xi32> to vector<16x1xi32>
      %gather3A_508 = vector.shape_cast %broadcast_in_dim3A_507 : vector<16x1xi32> to vector<16xi32>
      %gather3A_509 = tpu.dynamic_gather %add3A_506[%gather3A_508] in [0] : vector<16xf32>, vector<16xi32> -> vector<16xf32>
      %add3A_510 = arith.addf %add3A_506, %gather3A_509 : vector<16xf32>
      %select_n3A_511 = arith.select %eq3A_63, %add3A_510, %select_n3A_459 : vector<16xi1>, vector<16xf32>
      %mul3A_512 = arith.constant 16 : i32
      %mul3A_513 = arith.muli %scan3A_95, %mul3A_512 : i32
      %add3A_514 = arith.constant 8 : i32
      %add3A_515 = arith.addi %mul3A_513, %add3A_514 : i32
      %get3A_516 = arith.index_cast %add3A_515 : i32 to index
      %get3A_517 = arith.constant 0 : index
      %get3A_518 = tpu.vector_load %arg11[%get3A_516, %get3A_517] {strides = array<i32>} : memref<512x64xf32, #tpu.memory_space<vmem>>, vector<16xf32>,
      %get3A_519 = arith.index_cast %add3A_515 : i32 to index
      %get3A_520 = arith.constant 0 : index
      %get3A_521 = tpu.vector_load %arg12[%get3A_519, %get3A_520] {strides = array<i32>} : memref<512x64xf32, #tpu.memory_space<vmem>>, vector<16xf32>,
      %mul3A_522 = arith.mulf %get3A_518, %get3A_521 : vector<16xf32>
      %get3A_523 = arith.index_cast %add3A_515 : i32 to index
      %get3A_524 = arith.constant 16 : index
      %get3A_525 = tpu.vector_load %arg11[%get3A_523, %get3A_524] {strides = array<i32>} : memref<512x64xf32, #tpu.memory_space<vmem>>, vector<16xf32>,
      %get3A_526 = arith.index_cast %add3A_515 : i32 to index
      %get3A_527 = arith.constant 16 : index
      %get3A_528 = tpu.vector_load %arg12[%get3A_526, %get3A_527] {strides = array<i32>} : memref<512x64xf32, #tpu.memory_space<vmem>>, vector<16xf32>,
      %mul3A_529 = arith.mulf %get3A_525, %get3A_528 : vector<16xf32>
      %add3A_530 = arith.addf %mul3A_522, %mul3A_529 : vector<16xf32>
      %get3A_531 = arith.index_cast %add3A_515 : i32 to index
      %get3A_532 = arith.constant 32 : index
      %get3A_533 = tpu.vector_load %arg11[%get3A_531, %get3A_532] {strides = array<i32>} : memref<512x64xf32, #tpu.memory_space<vmem>>, vector<16xf32>,
      %get3A_534 = arith.index_cast %add3A_515 : i32 to index
      %get3A_535 = arith.constant 32 : index
      %get3A_536 = tpu.vector_load %arg12[%get3A_534, %get3A_535] {strides = array<i32>} : memref<512x64xf32, #tpu.memory_space<vmem>>, vector<16xf32>,
      %mul3A_537 = arith.mulf %get3A_533, %get3A_536 : vector<16xf32>
      %add3A_538 = arith.addf %add3A_530, %mul3A_537 : vector<16xf32>
      %get3A_539 = arith.index_cast %add3A_515 : i32 to index
      %get3A_540 = arith.constant 48 : index
      %get3A_541 = tpu.vector_load %arg11[%get3A_539, %get3A_540] {strides = array<i32>} : memref<512x64xf32, #tpu.memory_space<vmem>>, vector<16xf32>,
      %get3A_542 = arith.index_cast %add3A_515 : i32 to index
      %get3A_543 = arith.constant 48 : index
      %get3A_544 = tpu.vector_load %arg12[%get3A_542, %get3A_543] {strides = array<i32>} : memref<512x64xf32, #tpu.memory_space<vmem>>, vector<16xf32>,
      %mul3A_545 = arith.mulf %get3A_541, %get3A_544 : vector<16xf32>
      %add3A_546 = arith.addf %add3A_538, %mul3A_545 : vector<16xf32>
      %broadcast_in_dim3A_547 = vector.shape_cast %xor3A_31 : vector<16xi32> to vector<16x1xi32>
      %gather3A_548 = vector.shape_cast %broadcast_in_dim3A_547 : vector<16x1xi32> to vector<16xi32>
      %gather3A_549 = tpu.dynamic_gather %add3A_546[%gather3A_548] in [0] : vector<16xf32>, vector<16xi32> -> vector<16xf32>
      %add3A_550 = arith.addf %add3A_546, %gather3A_549 : vector<16xf32>
      %broadcast_in_dim3A_551 = vector.shape_cast %xor3A_34 : vector<16xi32> to vector<16x1xi32>
      %gather3A_552 = vector.shape_cast %broadcast_in_dim3A_551 : vector<16x1xi32> to vector<16xi32>
      %gather3A_553 = tpu.dynamic_gather %add3A_550[%gather3A_552] in [0] : vector<16xf32>, vector<16xi32> -> vector<16xf32>
      %add3A_554 = arith.addf %add3A_550, %gather3A_553 : vector<16xf32>
      %broadcast_in_dim3A_555 = vector.shape_cast %xor3A_37 : vector<16xi32> to vector<16x1xi32>
      %gather3A_556 = vector.shape_cast %broadcast_in_dim3A_555 : vector<16x1xi32> to vector<16xi32>
      %gather3A_557 = tpu.dynamic_gather %add3A_554[%gather3A_556] in [0] : vector<16xf32>, vector<16xi32> -> vector<16xf32>
      %add3A_558 = arith.addf %add3A_554, %gather3A_557 : vector<16xf32>
      %broadcast_in_dim3A_559 = vector.shape_cast %xor3A_40 : vector<16xi32> to vector<16x1xi32>
      %gather3A_560 = vector.shape_cast %broadcast_in_dim3A_559 : vector<16x1xi32> to vector<16xi32>
      %gather3A_561 = tpu.dynamic_gather %add3A_558[%gather3A_560] in [0] : vector<16xf32>, vector<16xi32> -> vector<16xf32>
      %add3A_562 = arith.addf %add3A_558, %gather3A_561 : vector<16xf32>
      %select_n3A_563 = arith.select %eq3A_66, %add3A_562, %select_n3A_511 : vector<16xi1>, vector<16xf32>
      %mul3A_564 = arith.constant 16 : i32
      %mul3A_565 = arith.muli %scan3A_95, %mul3A_564 : i32
      %add3A_566 = arith.constant 9 : i32
      %add3A_567 = arith.addi %mul3A_565, %add3A_566 : i32
      %get3A_568 = arith.index_cast %add3A_567 : i32 to index
      %get3A_569 = arith.constant 0 : index
      %get3A_570 = tpu.vector_load %arg11[%get3A_568, %get3A_569] {strides = array<i32>} : memref<512x64xf32, #tpu.memory_space<vmem>>, vector<16xf32>,
      %get3A_571 = arith.index_cast %add3A_567 : i32 to index
      %get3A_572 = arith.constant 0 : index
      %get3A_573 = tpu.vector_load %arg12[%get3A_571, %get3A_572] {strides = array<i32>} : memref<512x64xf32, #tpu.memory_space<vmem>>, vector<16xf32>,
      %mul3A_574 = arith.mulf %get3A_570, %get3A_573 : vector<16xf32>
      %get3A_575 = arith.index_cast %add3A_567 : i32 to index
      %get3A_576 = arith.constant 16 : index
      %get3A_577 = tpu.vector_load %arg11[%get3A_575, %get3A_576] {strides = array<i32>} : memref<512x64xf32, #tpu.memory_space<vmem>>, vector<16xf32>,
      %get3A_578 = arith.index_cast %add3A_567 : i32 to index
      %get3A_579 = arith.constant 16 : index
      %get3A_580 = tpu.vector_load %arg12[%get3A_578, %get3A_579] {strides = array<i32>} : memref<512x64xf32, #tpu.memory_space<vmem>>, vector<16xf32>,
      %mul3A_581 = arith.mulf %get3A_577, %get3A_580 : vector<16xf32>
      %add3A_582 = arith.addf %mul3A_574, %mul3A_581 : vector<16xf32>
      %get3A_583 = arith.index_cast %add3A_567 : i32 to index
      %get3A_584 = arith.constant 32 : index
      %get3A_585 = tpu.vector_load %arg11[%get3A_583, %get3A_584] {strides = array<i32>} : memref<512x64xf32, #tpu.memory_space<vmem>>, vector<16xf32>,
      %get3A_586 = arith.index_cast %add3A_567 : i32 to index
      %get3A_587 = arith.constant 32 : index
      %get3A_588 = tpu.vector_load %arg12[%get3A_586, %get3A_587] {strides = array<i32>} : memref<512x64xf32, #tpu.memory_space<vmem>>, vector<16xf32>,
      %mul3A_589 = arith.mulf %get3A_585, %get3A_588 : vector<16xf32>
      %add3A_590 = arith.addf %add3A_582, %mul3A_589 : vector<16xf32>
      %get3A_591 = arith.index_cast %add3A_567 : i32 to index
      %get3A_592 = arith.constant 48 : index
      %get3A_593 = tpu.vector_load %arg11[%get3A_591, %get3A_592] {strides = array<i32>} : memref<512x64xf32, #tpu.memory_space<vmem>>, vector<16xf32>,
      %get3A_594 = arith.index_cast %add3A_567 : i32 to index
      %get3A_595 = arith.constant 48 : index
      %get3A_596 = tpu.vector_load %arg12[%get3A_594, %get3A_595] {strides = array<i32>} : memref<512x64xf32, #tpu.memory_space<vmem>>, vector<16xf32>,
      %mul3A_597 = arith.mulf %get3A_593, %get3A_596 : vector<16xf32>
      %add3A_598 = arith.addf %add3A_590, %mul3A_597 : vector<16xf32>
      %broadcast_in_dim3A_599 = vector.shape_cast %xor3A_31 : vector<16xi32> to vector<16x1xi32>
      %gather3A_600 = vector.shape_cast %broadcast_in_dim3A_599 : vector<16x1xi32> to vector<16xi32>
      %gather3A_601 = tpu.dynamic_gather %add3A_598[%gather3A_600] in [0] : vector<16xf32>, vector<16xi32> -> vector<16xf32>
      %add3A_602 = arith.addf %add3A_598, %gather3A_601 : vector<16xf32>
      %broadcast_in_dim3A_603 = vector.shape_cast %xor3A_34 : vector<16xi32> to vector<16x1xi32>
      %gather3A_604 = vector.shape_cast %broadcast_in_dim3A_603 : vector<16x1xi32> to vector<16xi32>
      %gather3A_605 = tpu.dynamic_gather %add3A_602[%gather3A_604] in [0] : vector<16xf32>, vector<16xi32> -> vector<16xf32>
      %add3A_606 = arith.addf %add3A_602, %gather3A_605 : vector<16xf32>
      %broadcast_in_dim3A_607 = vector.shape_cast %xor3A_37 : vector<16xi32> to vector<16x1xi32>
      %gather3A_608 = vector.shape_cast %broadcast_in_dim3A_607 : vector<16x1xi32> to vector<16xi32>
      %gather3A_609 = tpu.dynamic_gather %add3A_606[%gather3A_608] in [0] : vector<16xf32>, vector<16xi32> -> vector<16xf32>
      %add3A_610 = arith.addf %add3A_606, %gather3A_609 : vector<16xf32>
      %broadcast_in_dim3A_611 = vector.shape_cast %xor3A_40 : vector<16xi32> to vector<16x1xi32>
      %gather3A_612 = vector.shape_cast %broadcast_in_dim3A_611 : vector<16x1xi32> to vector<16xi32>
      %gather3A_613 = tpu.dynamic_gather %add3A_610[%gather3A_612] in [0] : vector<16xf32>, vector<16xi32> -> vector<16xf32>
      %add3A_614 = arith.addf %add3A_610, %gather3A_613 : vector<16xf32>
      %select_n3A_615 = arith.select %eq3A_69, %add3A_614, %select_n3A_563 : vector<16xi1>, vector<16xf32>
      %mul3A_616 = arith.constant 16 : i32
      %mul3A_617 = arith.muli %scan3A_95, %mul3A_616 : i32
      %add3A_618 = arith.constant 10 : i32
      %add3A_619 = arith.addi %mul3A_617, %add3A_618 : i32
      %get3A_620 = arith.index_cast %add3A_619 : i32 to index
      %get3A_621 = arith.constant 0 : index
      %get3A_622 = tpu.vector_load %arg11[%get3A_620, %get3A_621] {strides = array<i32>} : memref<512x64xf32, #tpu.memory_space<vmem>>, vector<16xf32>,
      %get3A_623 = arith.index_cast %add3A_619 : i32 to index
      %get3A_624 = arith.constant 0 : index
      %get3A_625 = tpu.vector_load %arg12[%get3A_623, %get3A_624] {strides = array<i32>} : memref<512x64xf32, #tpu.memory_space<vmem>>, vector<16xf32>,
      %mul3A_626 = arith.mulf %get3A_622, %get3A_625 : vector<16xf32>
      %get3A_627 = arith.index_cast %add3A_619 : i32 to index
      %get3A_628 = arith.constant 16 : index
      %get3A_629 = tpu.vector_load %arg11[%get3A_627, %get3A_628] {strides = array<i32>} : memref<512x64xf32, #tpu.memory_space<vmem>>, vector<16xf32>,
      %get3A_630 = arith.index_cast %add3A_619 : i32 to index
      %get3A_631 = arith.constant 16 : index
      %get3A_632 = tpu.vector_load %arg12[%get3A_630, %get3A_631] {strides = array<i32>} : memref<512x64xf32, #tpu.memory_space<vmem>>, vector<16xf32>,
      %mul3A_633 = arith.mulf %get3A_629, %get3A_632 : vector<16xf32>
      %add3A_634 = arith.addf %mul3A_626, %mul3A_633 : vector<16xf32>
      %get3A_635 = arith.index_cast %add3A_619 : i32 to index
      %get3A_636 = arith.constant 32 : index
      %get3A_637 = tpu.vector_load %arg11[%get3A_635, %get3A_636] {strides = array<i32>} : memref<512x64xf32, #tpu.memory_space<vmem>>, vector<16xf32>,
      %get3A_638 = arith.index_cast %add3A_619 : i32 to index
      %get3A_639 = arith.constant 32 : index
      %get3A_640 = tpu.vector_load %arg12[%get3A_638, %get3A_639] {strides = array<i32>} : memref<512x64xf32, #tpu.memory_space<vmem>>, vector<16xf32>,
      %mul3A_641 = arith.mulf %get3A_637, %get3A_640 : vector<16xf32>
      %add3A_642 = arith.addf %add3A_634, %mul3A_641 : vector<16xf32>
      %get3A_643 = arith.index_cast %add3A_619 : i32 to index
      %get3A_644 = arith.constant 48 : index
      %get3A_645 = tpu.vector_load %arg11[%get3A_643, %get3A_644] {strides = array<i32>} : memref<512x64xf32, #tpu.memory_space<vmem>>, vector<16xf32>,
      %get3A_646 = arith.index_cast %add3A_619 : i32 to index
      %get3A_647 = arith.constant 48 : index
      %get3A_648 = tpu.vector_load %arg12[%get3A_646, %get3A_647] {strides = array<i32>} : memref<512x64xf32, #tpu.memory_space<vmem>>, vector<16xf32>,
      %mul3A_649 = arith.mulf %get3A_645, %get3A_648 : vector<16xf32>
      %add3A_650 = arith.addf %add3A_642, %mul3A_649 : vector<16xf32>
      %broadcast_in_dim3A_651 = vector.shape_cast %xor3A_31 : vector<16xi32> to vector<16x1xi32>
      %gather3A_652 = vector.shape_cast %broadcast_in_dim3A_651 : vector<16x1xi32> to vector<16xi32>
      %gather3A_653 = tpu.dynamic_gather %add3A_650[%gather3A_652] in [0] : vector<16xf32>, vector<16xi32> -> vector<16xf32>
      %add3A_654 = arith.addf %add3A_650, %gather3A_653 : vector<16xf32>
      %broadcast_in_dim3A_655 = vector.shape_cast %xor3A_34 : vector<16xi32> to vector<16x1xi32>
      %gather3A_656 = vector.shape_cast %broadcast_in_dim3A_655 : vector<16x1xi32> to vector<16xi32>
      %gather3A_657 = tpu.dynamic_gather %add3A_654[%gather3A_656] in [0] : vector<16xf32>, vector<16xi32> -> vector<16xf32>
      %add3A_658 = arith.addf %add3A_654, %gather3A_657 : vector<16xf32>
      %broadcast_in_dim3A_659 = vector.shape_cast %xor3A_37 : vector<16xi32> to vector<16x1xi32>
      %gather3A_660 = vector.shape_cast %broadcast_in_dim3A_659 : vector<16x1xi32> to vector<16xi32>
      %gather3A_661 = tpu.dynamic_gather %add3A_658[%gather3A_660] in [0] : vector<16xf32>, vector<16xi32> -> vector<16xf32>
      %add3A_662 = arith.addf %add3A_658, %gather3A_661 : vector<16xf32>
      %broadcast_in_dim3A_663 = vector.shape_cast %xor3A_40 : vector<16xi32> to vector<16x1xi32>
      %gather3A_664 = vector.shape_cast %broadcast_in_dim3A_663 : vector<16x1xi32> to vector<16xi32>
      %gather3A_665 = tpu.dynamic_gather %add3A_662[%gather3A_664] in [0] : vector<16xf32>, vector<16xi32> -> vector<16xf32>
      %add3A_666 = arith.addf %add3A_662, %gather3A_665 : vector<16xf32>
      %select_n3A_667 = arith.select %eq3A_72, %add3A_666, %select_n3A_615 : vector<16xi1>, vector<16xf32>
      %mul3A_668 = arith.constant 16 : i32
      %mul3A_669 = arith.muli %scan3A_95, %mul3A_668 : i32
      %add3A_670 = arith.constant 11 : i32
      %add3A_671 = arith.addi %mul3A_669, %add3A_670 : i32
      %get3A_672 = arith.index_cast %add3A_671 : i32 to index
      %get3A_673 = arith.constant 0 : index
      %get3A_674 = tpu.vector_load %arg11[%get3A_672, %get3A_673] {strides = array<i32>} : memref<512x64xf32, #tpu.memory_space<vmem>>, vector<16xf32>,
      %get3A_675 = arith.index_cast %add3A_671 : i32 to index
      %get3A_676 = arith.constant 0 : index
      %get3A_677 = tpu.vector_load %arg12[%get3A_675, %get3A_676] {strides = array<i32>} : memref<512x64xf32, #tpu.memory_space<vmem>>, vector<16xf32>,
      %mul3A_678 = arith.mulf %get3A_674, %get3A_677 : vector<16xf32>
      %get3A_679 = arith.index_cast %add3A_671 : i32 to index
      %get3A_680 = arith.constant 16 : index
      %get3A_681 = tpu.vector_load %arg11[%get3A_679, %get3A_680] {strides = array<i32>} : memref<512x64xf32, #tpu.memory_space<vmem>>, vector<16xf32>,
      %get3A_682 = arith.index_cast %add3A_671 : i32 to index
      %get3A_683 = arith.constant 16 : index
      %get3A_684 = tpu.vector_load %arg12[%get3A_682, %get3A_683] {strides = array<i32>} : memref<512x64xf32, #tpu.memory_space<vmem>>, vector<16xf32>,
      %mul3A_685 = arith.mulf %get3A_681, %get3A_684 : vector<16xf32>
      %add3A_686 = arith.addf %mul3A_678, %mul3A_685 : vector<16xf32>
      %get3A_687 = arith.index_cast %add3A_671 : i32 to index
      %get3A_688 = arith.constant 32 : index
      %get3A_689 = tpu.vector_load %arg11[%get3A_687, %get3A_688] {strides = array<i32>} : memref<512x64xf32, #tpu.memory_space<vmem>>, vector<16xf32>,
      %get3A_690 = arith.index_cast %add3A_671 : i32 to index
      %get3A_691 = arith.constant 32 : index
      %get3A_692 = tpu.vector_load %arg12[%get3A_690, %get3A_691] {strides = array<i32>} : memref<512x64xf32, #tpu.memory_space<vmem>>, vector<16xf32>,
      %mul3A_693 = arith.mulf %get3A_689, %get3A_692 : vector<16xf32>
      %add3A_694 = arith.addf %add3A_686, %mul3A_693 : vector<16xf32>
      %get3A_695 = arith.index_cast %add3A_671 : i32 to index
      %get3A_696 = arith.constant 48 : index
      %get3A_697 = tpu.vector_load %arg11[%get3A_695, %get3A_696] {strides = array<i32>} : memref<512x64xf32, #tpu.memory_space<vmem>>, vector<16xf32>,
      %get3A_698 = arith.index_cast %add3A_671 : i32 to index
      %get3A_699 = arith.constant 48 : index
      %get3A_700 = tpu.vector_load %arg12[%get3A_698, %get3A_699] {strides = array<i32>} : memref<512x64xf32, #tpu.memory_space<vmem>>, vector<16xf32>,
      %mul3A_701 = arith.mulf %get3A_697, %get3A_700 : vector<16xf32>
      %add3A_702 = arith.addf %add3A_694, %mul3A_701 : vector<16xf32>
      %broadcast_in_dim3A_703 = vector.shape_cast %xor3A_31 : vector<16xi32> to vector<16x1xi32>
      %gather3A_704 = vector.shape_cast %broadcast_in_dim3A_703 : vector<16x1xi32> to vector<16xi32>
      %gather3A_705 = tpu.dynamic_gather %add3A_702[%gather3A_704] in [0] : vector<16xf32>, vector<16xi32> -> vector<16xf32>
      %add3A_706 = arith.addf %add3A_702, %gather3A_705 : vector<16xf32>
      %broadcast_in_dim3A_707 = vector.shape_cast %xor3A_34 : vector<16xi32> to vector<16x1xi32>
      %gather3A_708 = vector.shape_cast %broadcast_in_dim3A_707 : vector<16x1xi32> to vector<16xi32>
      %gather3A_709 = tpu.dynamic_gather %add3A_706[%gather3A_708] in [0] : vector<16xf32>, vector<16xi32> -> vector<16xf32>
      %add3A_710 = arith.addf %add3A_706, %gather3A_709 : vector<16xf32>
      %broadcast_in_dim3A_711 = vector.shape_cast %xor3A_37 : vector<16xi32> to vector<16x1xi32>
      %gather3A_712 = vector.shape_cast %broadcast_in_dim3A_711 : vector<16x1xi32> to vector<16xi32>
      %gather3A_713 = tpu.dynamic_gather %add3A_710[%gather3A_712] in [0] : vector<16xf32>, vector<16xi32> -> vector<16xf32>
      %add3A_714 = arith.addf %add3A_710, %gather3A_713 : vector<16xf32>
      %broadcast_in_dim3A_715 = vector.shape_cast %xor3A_40 : vector<16xi32> to vector<16x1xi32>
      %gather3A_716 = vector.shape_cast %broadcast_in_dim3A_715 : vector<16x1xi32> to vector<16xi32>
      %gather3A_717 = tpu.dynamic_gather %add3A_714[%gather3A_716] in [0] : vector<16xf32>, vector<16xi32> -> vector<16xf32>
      %add3A_718 = arith.addf %add3A_714, %gather3A_717 : vector<16xf32>
      %select_n3A_719 = arith.select %eq3A_75, %add3A_718, %select_n3A_667 : vector<16xi1>, vector<16xf32>
      %mul3A_720 = arith.constant 16 : i32
      %mul3A_721 = arith.muli %scan3A_95, %mul3A_720 : i32
      %add3A_722 = arith.constant 12 : i32
      %add3A_723 = arith.addi %mul3A_721, %add3A_722 : i32
      %get3A_724 = arith.index_cast %add3A_723 : i32 to index
      %get3A_725 = arith.constant 0 : index
      %get3A_726 = tpu.vector_load %arg11[%get3A_724, %get3A_725] {strides = array<i32>} : memref<512x64xf32, #tpu.memory_space<vmem>>, vector<16xf32>,
      %get3A_727 = arith.index_cast %add3A_723 : i32 to index
      %get3A_728 = arith.constant 0 : index
      %get3A_729 = tpu.vector_load %arg12[%get3A_727, %get3A_728] {strides = array<i32>} : memref<512x64xf32, #tpu.memory_space<vmem>>, vector<16xf32>,
      %mul3A_730 = arith.mulf %get3A_726, %get3A_729 : vector<16xf32>
      %get3A_731 = arith.index_cast %add3A_723 : i32 to index
      %get3A_732 = arith.constant 16 : index
      %get3A_733 = tpu.vector_load %arg11[%get3A_731, %get3A_732] {strides = array<i32>} : memref<512x64xf32, #tpu.memory_space<vmem>>, vector<16xf32>,
      %get3A_734 = arith.index_cast %add3A_723 : i32 to index
      %get3A_735 = arith.constant 16 : index
      %get3A_736 = tpu.vector_load %arg12[%get3A_734, %get3A_735] {strides = array<i32>} : memref<512x64xf32, #tpu.memory_space<vmem>>, vector<16xf32>,
      %mul3A_737 = arith.mulf %get3A_733, %get3A_736 : vector<16xf32>
      %add3A_738 = arith.addf %mul3A_730, %mul3A_737 : vector<16xf32>
      %get3A_739 = arith.index_cast %add3A_723 : i32 to index
      %get3A_740 = arith.constant 32 : index
      %get3A_741 = tpu.vector_load %arg11[%get3A_739, %get3A_740] {strides = array<i32>} : memref<512x64xf32, #tpu.memory_space<vmem>>, vector<16xf32>,
      %get3A_742 = arith.index_cast %add3A_723 : i32 to index
      %get3A_743 = arith.constant 32 : index
      %get3A_744 = tpu.vector_load %arg12[%get3A_742, %get3A_743] {strides = array<i32>} : memref<512x64xf32, #tpu.memory_space<vmem>>, vector<16xf32>,
      %mul3A_745 = arith.mulf %get3A_741, %get3A_744 : vector<16xf32>
      %add3A_746 = arith.addf %add3A_738, %mul3A_745 : vector<16xf32>
      %get3A_747 = arith.index_cast %add3A_723 : i32 to index
      %get3A_748 = arith.constant 48 : index
      %get3A_749 = tpu.vector_load %arg11[%get3A_747, %get3A_748] {strides = array<i32>} : memref<512x64xf32, #tpu.memory_space<vmem>>, vector<16xf32>,
      %get3A_750 = arith.index_cast %add3A_723 : i32 to index
      %get3A_751 = arith.constant 48 : index
      %get3A_752 = tpu.vector_load %arg12[%get3A_750, %get3A_751] {strides = array<i32>} : memref<512x64xf32, #tpu.memory_space<vmem>>, vector<16xf32>,
      %mul3A_753 = arith.mulf %get3A_749, %get3A_752 : vector<16xf32>
      %add3A_754 = arith.addf %add3A_746, %mul3A_753 : vector<16xf32>
      %broadcast_in_dim3A_755 = vector.shape_cast %xor3A_31 : vector<16xi32> to vector<16x1xi32>
      %gather3A_756 = vector.shape_cast %broadcast_in_dim3A_755 : vector<16x1xi32> to vector<16xi32>
      %gather3A_757 = tpu.dynamic_gather %add3A_754[%gather3A_756] in [0] : vector<16xf32>, vector<16xi32> -> vector<16xf32>
      %add3A_758 = arith.addf %add3A_754, %gather3A_757 : vector<16xf32>
      %broadcast_in_dim3A_759 = vector.shape_cast %xor3A_34 : vector<16xi32> to vector<16x1xi32>
      %gather3A_760 = vector.shape_cast %broadcast_in_dim3A_759 : vector<16x1xi32> to vector<16xi32>
      %gather3A_761 = tpu.dynamic_gather %add3A_758[%gather3A_760] in [0] : vector<16xf32>, vector<16xi32> -> vector<16xf32>
      %add3A_762 = arith.addf %add3A_758, %gather3A_761 : vector<16xf32>
      %broadcast_in_dim3A_763 = vector.shape_cast %xor3A_37 : vector<16xi32> to vector<16x1xi32>
      %gather3A_764 = vector.shape_cast %broadcast_in_dim3A_763 : vector<16x1xi32> to vector<16xi32>
      %gather3A_765 = tpu.dynamic_gather %add3A_762[%gather3A_764] in [0] : vector<16xf32>, vector<16xi32> -> vector<16xf32>
      %add3A_766 = arith.addf %add3A_762, %gather3A_765 : vector<16xf32>
      %broadcast_in_dim3A_767 = vector.shape_cast %xor3A_40 : vector<16xi32> to vector<16x1xi32>
      %gather3A_768 = vector.shape_cast %broadcast_in_dim3A_767 : vector<16x1xi32> to vector<16xi32>
      %gather3A_769 = tpu.dynamic_gather %add3A_766[%gather3A_768] in [0] : vector<16xf32>, vector<16xi32> -> vector<16xf32>
      %add3A_770 = arith.addf %add3A_766, %gather3A_769 : vector<16xf32>
      %select_n3A_771 = arith.select %eq3A_78, %add3A_770, %select_n3A_719 : vector<16xi1>, vector<16xf32>
      %mul3A_772 = arith.constant 16 : i32
      %mul3A_773 = arith.muli %scan3A_95, %mul3A_772 : i32
      %add3A_774 = arith.constant 13 : i32
      %add3A_775 = arith.addi %mul3A_773, %add3A_774 : i32
      %get3A_776 = arith.index_cast %add3A_775 : i32 to index
      %get3A_777 = arith.constant 0 : index
      %get3A_778 = tpu.vector_load %arg11[%get3A_776, %get3A_777] {strides = array<i32>} : memref<512x64xf32, #tpu.memory_space<vmem>>, vector<16xf32>,
      %get3A_779 = arith.index_cast %add3A_775 : i32 to index
      %get3A_780 = arith.constant 0 : index
      %get3A_781 = tpu.vector_load %arg12[%get3A_779, %get3A_780] {strides = array<i32>} : memref<512x64xf32, #tpu.memory_space<vmem>>, vector<16xf32>,
      %mul3A_782 = arith.mulf %get3A_778, %get3A_781 : vector<16xf32>
      %get3A_783 = arith.index_cast %add3A_775 : i32 to index
      %get3A_784 = arith.constant 16 : index
      %get3A_785 = tpu.vector_load %arg11[%get3A_783, %get3A_784] {strides = array<i32>} : memref<512x64xf32, #tpu.memory_space<vmem>>, vector<16xf32>,
      %get3A_786 = arith.index_cast %add3A_775 : i32 to index
      %get3A_787 = arith.constant 16 : index
      %get3A_788 = tpu.vector_load %arg12[%get3A_786, %get3A_787] {strides = array<i32>} : memref<512x64xf32, #tpu.memory_space<vmem>>, vector<16xf32>,
      %mul3A_789 = arith.mulf %get3A_785, %get3A_788 : vector<16xf32>
      %add3A_790 = arith.addf %mul3A_782, %mul3A_789 : vector<16xf32>
      %get3A_791 = arith.index_cast %add3A_775 : i32 to index
      %get3A_792 = arith.constant 32 : index
      %get3A_793 = tpu.vector_load %arg11[%get3A_791, %get3A_792] {strides = array<i32>} : memref<512x64xf32, #tpu.memory_space<vmem>>, vector<16xf32>,
      %get3A_794 = arith.index_cast %add3A_775 : i32 to index
      %get3A_795 = arith.constant 32 : index
      %get3A_796 = tpu.vector_load %arg12[%get3A_794, %get3A_795] {strides = array<i32>} : memref<512x64xf32, #tpu.memory_space<vmem>>, vector<16xf32>,
      %mul3A_797 = arith.mulf %get3A_793, %get3A_796 : vector<16xf32>
      %add3A_798 = arith.addf %add3A_790, %mul3A_797 : vector<16xf32>
      %get3A_799 = arith.index_cast %add3A_775 : i32 to index
      %get3A_800 = arith.constant 48 : index
      %get3A_801 = tpu.vector_load %arg11[%get3A_799, %get3A_800] {strides = array<i32>} : memref<512x64xf32, #tpu.memory_space<vmem>>, vector<16xf32>,
      %get3A_802 = arith.index_cast %add3A_775 : i32 to index
      %get3A_803 = arith.constant 48 : index
      %get3A_804 = tpu.vector_load %arg12[%get3A_802, %get3A_803] {strides = array<i32>} : memref<512x64xf32, #tpu.memory_space<vmem>>, vector<16xf32>,
      %mul3A_805 = arith.mulf %get3A_801, %get3A_804 : vector<16xf32>
      %add3A_806 = arith.addf %add3A_798, %mul3A_805 : vector<16xf32>
      %broadcast_in_dim3A_807 = vector.shape_cast %xor3A_31 : vector<16xi32> to vector<16x1xi32>
      %gather3A_808 = vector.shape_cast %broadcast_in_dim3A_807 : vector<16x1xi32> to vector<16xi32>
      %gather3A_809 = tpu.dynamic_gather %add3A_806[%gather3A_808] in [0] : vector<16xf32>, vector<16xi32> -> vector<16xf32>
      %add3A_810 = arith.addf %add3A_806, %gather3A_809 : vector<16xf32>
      %broadcast_in_dim3A_811 = vector.shape_cast %xor3A_34 : vector<16xi32> to vector<16x1xi32>
      %gather3A_812 = vector.shape_cast %broadcast_in_dim3A_811 : vector<16x1xi32> to vector<16xi32>
      %gather3A_813 = tpu.dynamic_gather %add3A_810[%gather3A_812] in [0] : vector<16xf32>, vector<16xi32> -> vector<16xf32>
      %add3A_814 = arith.addf %add3A_810, %gather3A_813 : vector<16xf32>
      %broadcast_in_dim3A_815 = vector.shape_cast %xor3A_37 : vector<16xi32> to vector<16x1xi32>
      %gather3A_816 = vector.shape_cast %broadcast_in_dim3A_815 : vector<16x1xi32> to vector<16xi32>
      %gather3A_817 = tpu.dynamic_gather %add3A_814[%gather3A_816] in [0] : vector<16xf32>, vector<16xi32> -> vector<16xf32>
      %add3A_818 = arith.addf %add3A_814, %gather3A_817 : vector<16xf32>
      %broadcast_in_dim3A_819 = vector.shape_cast %xor3A_40 : vector<16xi32> to vector<16x1xi32>
      %gather3A_820 = vector.shape_cast %broadcast_in_dim3A_819 : vector<16x1xi32> to vector<16xi32>
      %gather3A_821 = tpu.dynamic_gather %add3A_818[%gather3A_820] in [0] : vector<16xf32>, vector<16xi32> -> vector<16xf32>
      %add3A_822 = arith.addf %add3A_818, %gather3A_821 : vector<16xf32>
      %select_n3A_823 = arith.select %eq3A_81, %add3A_822, %select_n3A_771 : vector<16xi1>, vector<16xf32>
      %mul3A_824 = arith.constant 16 : i32
      %mul3A_825 = arith.muli %scan3A_95, %mul3A_824 : i32
      %add3A_826 = arith.constant 14 : i32
      %add3A_827 = arith.addi %mul3A_825, %add3A_826 : i32
      %get3A_828 = arith.index_cast %add3A_827 : i32 to index
      %get3A_829 = arith.constant 0 : index
      %get3A_830 = tpu.vector_load %arg11[%get3A_828, %get3A_829] {strides = array<i32>} : memref<512x64xf32, #tpu.memory_space<vmem>>, vector<16xf32>,
      %get3A_831 = arith.index_cast %add3A_827 : i32 to index
      %get3A_832 = arith.constant 0 : index
      %get3A_833 = tpu.vector_load %arg12[%get3A_831, %get3A_832] {strides = array<i32>} : memref<512x64xf32, #tpu.memory_space<vmem>>, vector<16xf32>,
      %mul3A_834 = arith.mulf %get3A_830, %get3A_833 : vector<16xf32>
      %get3A_835 = arith.index_cast %add3A_827 : i32 to index
      %get3A_836 = arith.constant 16 : index
      %get3A_837 = tpu.vector_load %arg11[%get3A_835, %get3A_836] {strides = array<i32>} : memref<512x64xf32, #tpu.memory_space<vmem>>, vector<16xf32>,
      %get3A_838 = arith.index_cast %add3A_827 : i32 to index
      %get3A_839 = arith.constant 16 : index
      %get3A_840 = tpu.vector_load %arg12[%get3A_838, %get3A_839] {strides = array<i32>} : memref<512x64xf32, #tpu.memory_space<vmem>>, vector<16xf32>,
      %mul3A_841 = arith.mulf %get3A_837, %get3A_840 : vector<16xf32>
      %add3A_842 = arith.addf %mul3A_834, %mul3A_841 : vector<16xf32>
      %get3A_843 = arith.index_cast %add3A_827 : i32 to index
      %get3A_844 = arith.constant 32 : index
      %get3A_845 = tpu.vector_load %arg11[%get3A_843, %get3A_844] {strides = array<i32>} : memref<512x64xf32, #tpu.memory_space<vmem>>, vector<16xf32>,
      %get3A_846 = arith.index_cast %add3A_827 : i32 to index
      %get3A_847 = arith.constant 32 : index
      %get3A_848 = tpu.vector_load %arg12[%get3A_846, %get3A_847] {strides = array<i32>} : memref<512x64xf32, #tpu.memory_space<vmem>>, vector<16xf32>,
      %mul3A_849 = arith.mulf %get3A_845, %get3A_848 : vector<16xf32>
      %add3A_850 = arith.addf %add3A_842, %mul3A_849 : vector<16xf32>
      %get3A_851 = arith.index_cast %add3A_827 : i32 to index
      %get3A_852 = arith.constant 48 : index
      %get3A_853 = tpu.vector_load %arg11[%get3A_851, %get3A_852] {strides = array<i32>} : memref<512x64xf32, #tpu.memory_space<vmem>>, vector<16xf32>,
      %get3A_854 = arith.index_cast %add3A_827 : i32 to index
      %get3A_855 = arith.constant 48 : index
      %get3A_856 = tpu.vector_load %arg12[%get3A_854, %get3A_855] {strides = array<i32>} : memref<512x64xf32, #tpu.memory_space<vmem>>, vector<16xf32>,
      %mul3A_857 = arith.mulf %get3A_853, %get3A_856 : vector<16xf32>
      %add3A_858 = arith.addf %add3A_850, %mul3A_857 : vector<16xf32>
      %broadcast_in_dim3A_859 = vector.shape_cast %xor3A_31 : vector<16xi32> to vector<16x1xi32>
      %gather3A_860 = vector.shape_cast %broadcast_in_dim3A_859 : vector<16x1xi32> to vector<16xi32>
      %gather3A_861 = tpu.dynamic_gather %add3A_858[%gather3A_860] in [0] : vector<16xf32>, vector<16xi32> -> vector<16xf32>
      %add3A_862 = arith.addf %add3A_858, %gather3A_861 : vector<16xf32>
      %broadcast_in_dim3A_863 = vector.shape_cast %xor3A_34 : vector<16xi32> to vector<16x1xi32>
      %gather3A_864 = vector.shape_cast %broadcast_in_dim3A_863 : vector<16x1xi32> to vector<16xi32>
      %gather3A_865 = tpu.dynamic_gather %add3A_862[%gather3A_864] in [0] : vector<16xf32>, vector<16xi32> -> vector<16xf32>
      %add3A_866 = arith.addf %add3A_862, %gather3A_865 : vector<16xf32>
      %broadcast_in_dim3A_867 = vector.shape_cast %xor3A_37 : vector<16xi32> to vector<16x1xi32>
      %gather3A_868 = vector.shape_cast %broadcast_in_dim3A_867 : vector<16x1xi32> to vector<16xi32>
      %gather3A_869 = tpu.dynamic_gather %add3A_866[%gather3A_868] in [0] : vector<16xf32>, vector<16xi32> -> vector<16xf32>
      %add3A_870 = arith.addf %add3A_866, %gather3A_869 : vector<16xf32>
      %broadcast_in_dim3A_871 = vector.shape_cast %xor3A_40 : vector<16xi32> to vector<16x1xi32>
      %gather3A_872 = vector.shape_cast %broadcast_in_dim3A_871 : vector<16x1xi32> to vector<16xi32>
      %gather3A_873 = tpu.dynamic_gather %add3A_870[%gather3A_872] in [0] : vector<16xf32>, vector<16xi32> -> vector<16xf32>
      %add3A_874 = arith.addf %add3A_870, %gather3A_873 : vector<16xf32>
      %select_n3A_875 = arith.select %eq3A_84, %add3A_874, %select_n3A_823 : vector<16xi1>, vector<16xf32>
      %mul3A_876 = arith.constant 16 : i32
      %mul3A_877 = arith.muli %scan3A_95, %mul3A_876 : i32
      %add3A_878 = arith.constant 15 : i32
      %add3A_879 = arith.addi %mul3A_877, %add3A_878 : i32
      %get3A_880 = arith.index_cast %add3A_879 : i32 to index
      %get3A_881 = arith.constant 0 : index
      %get3A_882 = tpu.vector_load %arg11[%get3A_880, %get3A_881] {strides = array<i32>} : memref<512x64xf32, #tpu.memory_space<vmem>>, vector<16xf32>,
      %get3A_883 = arith.index_cast %add3A_879 : i32 to index
      %get3A_884 = arith.constant 0 : index
      %get3A_885 = tpu.vector_load %arg12[%get3A_883, %get3A_884] {strides = array<i32>} : memref<512x64xf32, #tpu.memory_space<vmem>>, vector<16xf32>,
      %mul3A_886 = arith.mulf %get3A_882, %get3A_885 : vector<16xf32>
      %get3A_887 = arith.index_cast %add3A_879 : i32 to index
      %get3A_888 = arith.constant 16 : index
      %get3A_889 = tpu.vector_load %arg11[%get3A_887, %get3A_888] {strides = array<i32>} : memref<512x64xf32, #tpu.memory_space<vmem>>, vector<16xf32>,
      %get3A_890 = arith.index_cast %add3A_879 : i32 to index
      %get3A_891 = arith.constant 16 : index
      %get3A_892 = tpu.vector_load %arg12[%get3A_890, %get3A_891] {strides = array<i32>} : memref<512x64xf32, #tpu.memory_space<vmem>>, vector<16xf32>,
      %mul3A_893 = arith.mulf %get3A_889, %get3A_892 : vector<16xf32>
      %add3A_894 = arith.addf %mul3A_886, %mul3A_893 : vector<16xf32>
      %get3A_895 = arith.index_cast %add3A_879 : i32 to index
      %get3A_896 = arith.constant 32 : index
      %get3A_897 = tpu.vector_load %arg11[%get3A_895, %get3A_896] {strides = array<i32>} : memref<512x64xf32, #tpu.memory_space<vmem>>, vector<16xf32>,
      %get3A_898 = arith.index_cast %add3A_879 : i32 to index
      %get3A_899 = arith.constant 32 : index
      %get3A_900 = tpu.vector_load %arg12[%get3A_898, %get3A_899] {strides = array<i32>} : memref<512x64xf32, #tpu.memory_space<vmem>>, vector<16xf32>,
      %mul3A_901 = arith.mulf %get3A_897, %get3A_900 : vector<16xf32>
      %add3A_902 = arith.addf %add3A_894, %mul3A_901 : vector<16xf32>
      %get3A_903 = arith.index_cast %add3A_879 : i32 to index
      %get3A_904 = arith.constant 48 : index
      %get3A_905 = tpu.vector_load %arg11[%get3A_903, %get3A_904] {strides = array<i32>} : memref<512x64xf32, #tpu.memory_space<vmem>>, vector<16xf32>,
      %get3A_906 = arith.index_cast %add3A_879 : i32 to index
      %get3A_907 = arith.constant 48 : index
      %get3A_908 = tpu.vector_load %arg12[%get3A_906, %get3A_907] {strides = array<i32>} : memref<512x64xf32, #tpu.memory_space<vmem>>, vector<16xf32>,
      %mul3A_909 = arith.mulf %get3A_905, %get3A_908 : vector<16xf32>
      %add3A_910 = arith.addf %add3A_902, %mul3A_909 : vector<16xf32>
      %broadcast_in_dim3A_911 = vector.shape_cast %xor3A_31 : vector<16xi32> to vector<16x1xi32>
      %gather3A_912 = vector.shape_cast %broadcast_in_dim3A_911 : vector<16x1xi32> to vector<16xi32>
      %gather3A_913 = tpu.dynamic_gather %add3A_910[%gather3A_912] in [0] : vector<16xf32>, vector<16xi32> -> vector<16xf32>
      %add3A_914 = arith.addf %add3A_910, %gather3A_913 : vector<16xf32>
      %broadcast_in_dim3A_915 = vector.shape_cast %xor3A_34 : vector<16xi32> to vector<16x1xi32>
      %gather3A_916 = vector.shape_cast %broadcast_in_dim3A_915 : vector<16x1xi32> to vector<16xi32>
      %gather3A_917 = tpu.dynamic_gather %add3A_914[%gather3A_916] in [0] : vector<16xf32>, vector<16xi32> -> vector<16xf32>
      %add3A_918 = arith.addf %add3A_914, %gather3A_917 : vector<16xf32>
      %broadcast_in_dim3A_919 = vector.shape_cast %xor3A_37 : vector<16xi32> to vector<16x1xi32>
      %gather3A_920 = vector.shape_cast %broadcast_in_dim3A_919 : vector<16x1xi32> to vector<16xi32>
      %gather3A_921 = tpu.dynamic_gather %add3A_918[%gather3A_920] in [0] : vector<16xf32>, vector<16xi32> -> vector<16xf32>
      %add3A_922 = arith.addf %add3A_918, %gather3A_921 : vector<16xf32>
      %broadcast_in_dim3A_923 = vector.shape_cast %xor3A_40 : vector<16xi32> to vector<16x1xi32>
      %gather3A_924 = vector.shape_cast %broadcast_in_dim3A_923 : vector<16x1xi32> to vector<16xi32>
      %gather3A_925 = tpu.dynamic_gather %add3A_922[%gather3A_924] in [0] : vector<16xf32>, vector<16xi32> -> vector<16xf32>
      %add3A_926 = arith.addf %add3A_922, %gather3A_925 : vector<16xf32>
      %select_n3A_927 = arith.select %eq3A_87, %add3A_926, %select_n3A_875 : vector<16xi1>, vector<16xf32>
      %mul3A_928 = arith.constant 16 : i32
      %mul3A_929 = arith.muli %scan3A_95, %mul3A_928 : i32
      %get3A_930 = arith.index_cast %mul3A_929 : i32 to index
      %get3A_931 = tpu.vector_load %arg13[%get3A_930] {strides = array<i32>} : memref<512xf32, #tpu.memory_space<vmem>>, vector<16xf32>,
      %add3A_932 = arith.addf %select_n3A_927, %get3A_931 : vector<16xf32>
      %get3A_933 = arith.index_cast %mul3A_929 : i32 to index
      %get3A_934 = tpu.vector_load %arg14[%get3A_933] {strides = array<i32>} : memref<512xf32, #tpu.memory_space<vmem>>, vector<16xf32>,
      %add3A_935 = arith.addf %add3A_932, %get3A_934 : vector<16xf32>
      %neg3A = arith.constant 0.000000e+00 : f32
      %neg3A_936 = vector.broadcast %neg3A : f32 to vector<16xf32>
      %neg3A_937 = arith.subf %neg3A_936, %add3A_935 : vector<16xf32>
      %exp3A = math.exp %neg3A_937 : vector<16xf32>
      %add3A_938 = arith.constant 1.000000e+00 : f32
      %add3A_939 = vector.broadcast %add3A_938 : f32 to vector<16xf32>
      %add3A_940 = arith.addf %add3A_939, %exp3A : vector<16xf32>
      %div3A = arith.constant 1.000000e+00 : f32
      %div3A_941 = vector.broadcast %div3A : f32 to vector<16xf32>
      %div3A_942 = arith.divf %div3A_941, %add3A_940 : vector<16xf32>
      %mul3A_943 = arith.mulf %div3A_942, %broadcast_in_dim3A_27 : vector<16xf32>
      %add3A_944 = arith.addf %mul3A_943, %broadcast_in_dim3A_29 : vector<16xf32>
      %swap3A = arith.index_cast %mul3A_929 : i32 to index
      %swap3A_945 = tpu.vector_load %arg15[%swap3A] {strides = array<i32>} : memref<512xf32, #tpu.memory_space<vmem>>, vector<16xf32>,
      tpu.vector_store %arg15[%swap3A], %add3A_944 {strides = array<i32>} : memref<512xf32, #tpu.memory_space<vmem>>, vector<16xf32>,
      %scan3A_946 = arith.constant 0 : i32
      scf.yield %scan3A_946 : i32
    }
    %scan3A_94 = arith.constant 32 : i32
    "tpu.region"() ({
      %run_scoped3A = tpu.sem_alloc : memref<!tpu.dma_semaphore, #tpu.memory_space<semaphore_mem>>
      %dma_start3A_95 = tpu.memref_slice %arg7[%mul3A_2] : memref<16384xf32, #tpu.memory_space<hbm>> -> memref<512xf32, #tpu.memory_space<hbm>>
      %dma_start3A_96 = tpu.memref_slice %arg7[%mul3A_2] : memref<16384xf32, #tpu.memory_space<hbm>> -> memref<512xf32, #tpu.memory_space<hbm>>
      tpu.enqueue_dma source(%arg15 : memref<512xf32, #tpu.memory_space<vmem>>) target(%dma_start3A_96 : memref<512xf32, #tpu.memory_space<hbm>>) target_semaphore(%run_scoped3A : memref<!tpu.dma_semaphore, #tpu.memory_space<semaphore_mem>>)
      %dma_wait3A_97 = tpu.memref_slice %arg7[%mul3A_2] : memref<16384xf32, #tpu.memory_space<hbm>> -> memref<512xf32, #tpu.memory_space<hbm>>
      %dma_wait3A_98 = tpu.memref_slice %arg7[%mul3A_2] : memref<16384xf32, #tpu.memory_space<hbm>> -> memref<512xf32, #tpu.memory_space<hbm>>
      tpu.wait_dma2 semaphore(%run_scoped3A : memref<!tpu.dma_semaphore, #tpu.memory_space<semaphore_mem>>) src(%arg15 : memref<512xf32, #tpu.memory_space<vmem>>) dst(%dma_wait3A_98 : memref<512xf32, #tpu.memory_space<hbm>>)
      tpu.yield
    }) : () -> ()
    return
  }
}

</mosaic_0001>

<sc_bundles>
// kernel: _run.3.cloned.1.call-start
scs
__scs_entry_jumppad:
0x0: {  	(pc) =	sbr.rel $0x88, $3  }
0x1: {  	(tag) =	ssettag $0x0;
	lr =	simm.s32 $0x1  }
0x2: {  	[smem:$0x3F9C] =	sst lr;
	_ =	strace $0xD0000000  }
0x3: {  	_ = 	snop  }
0x4: {  	_ = 	snop  }
0x5: {  	_ = 	snop  }
0x6: {  	_ = 	snop  }
0x7: {  	_ = 	snop  }
__scs_overlays_trampoline_lowered:
0x8: {  	[smem:$0x3FAB] =	sst s0  }
0x9: {  	[smem:$0x3FAC] =	sst s1  }
0xa: {  	[smem:$0x3FAD] =	sst s2  }
0xb: {  	[smem:$0x3FAE] =	sst s3  }
0xc: {  	[smem:$0x3FAF] =	sst s4  }
0xd: {  	[smem:$0x3FB0] =	sst s5  }
0xe: {  	[smem:$0x3FB1] =	sst s6  }
0xf: {  	[smem:$0x3FB2] =	sst s7  }
0x10: {  	[smem:$0x3FB3] =	sst s8  }
0x11: {  	[smem:$0x3FB4] =	sst s9;
	s0 =	simm.s32 @!p0 $0x0  }
0x12: {  	s1 =	sld [smem:$0x3F9A];
	s0 =	simm.s32 @p0 $0x1  }
0x13: {  	[smem:$0x3FB5] =	sst s0;
	s0 =	simm.s32 @!p1 $0x0  }
0x14: {  	s2 =	sld [smem:$0x3F99];
	s0 =	simm.s32 @p1 $0x1  }
0x15: {  	[smem:$0x3FB6] =	sst s0;
	s0 =	simm.s32 @!p2 $0x0  }
0x16: {  	s3 =	sld [smem:$0x3FDB];
	s0 =	simm.s32 @p2 $0x1  }
0x17: {  	s4 =	simm.s32 $0x1BF5;
	[smem:$0x3FB8] =	sst s0  }
0x18: {  	s0 =	sld [smem:$0x3F9B];
	_ =	swait.ge [sflag:s4], $0x0  }
0x19: {  	s7 =	sld [smem:$0x3F9C]  }
0x1a: {  	s8 =	sadd.s32 $0xFFFFE003, lr  }
0x1b: {  	s9 =	sadd.s32 $0xFFFFFEF7, lr;
	s5 =	simm.s32 $0xFFFFFFFF;
	p2 =	slt.u32 s8, $0xFFFFF086  }
0x1c: {  	p1 =	slt.u32 s9, $0xF7A;
	s5 =	simm.s32 @!p2 $0x0  }
0x1d: {  	s5 =	simm.s32 @p1 $0x1;
	p0 =	seq.s32 s7, s2  }
0x1e: {  	s7 =	smul.u32 @!p0 $0xF7A, s2;
	p2 =	seq.s32 @!p0 s5, $0x0  }
0x1f: {  	s9 =	smul.u32 $0xF7A, s1;
	s8 =	simm.s32 @!p0 $0x1BF5;
	p2 =	por !p2, p0  }
0x20: {  	[sflag:s8] =	ssyncset.s32 @!p0 $0xFFFFF086;
	s6 =	sadd.s32 @!p0 s3, s7;
	s7 =	simm.s32 @!p0 $0x108  }
0x21: {  	s3 =	sadd.s32 s3, s9;
	s6 =	sadd.s32 @!p0 $0x88, s6;
	s7 =	simm.s32 @p2 $0x1082  }
0x22: {  	[simem:s7], [sflag:s8] =	dma.local @!p0 [hbm:s6], $0xF7A  }
0x23: {  	s9 =	sor.u32 $0xD0000000, s2;
	s6 =	simm.s32 $0x108;
	_ =	swait.ge @!p0 [sflag:s8], $0x0  }
0x24: {  	s3 =	sadd.s32 $0x88, s3;
	s6 =	simm.s32 @!p1 $0x1082;
	[sflag:s4] =	ssyncset.s32 $0xFFFFF086  }
0x25: {  	[simem:s6], [sflag:s4] =	dma.local [hbm:s3], $0xF7A  }
0x26: {  	[smem:$0x3F9C] =	sst s1;
	(tag) =	ssettag s2;
	_ =	strace s9  }
0x27: {  	s1 =	sld [smem:$0x3FAC]  }
0x28: {  	s2 =	sld [smem:$0x3FAD]  }
0x29: {  	s4 =	sld [smem:$0x3FAF]  }
0x2a: {  	p0 =	seq.s32 s5, $0x0;
	s5 =	sld [smem:$0x3FB0]  }
0x2b: {  	s6 =	sld [smem:$0x3FB1]  }
0x2c: {  	s7 =	sld [smem:$0x3FB2]  }
0x2d: {  	s3 =	simm.s32 $0x108;
	s8 =	sld [smem:$0x3FB3]  }
0x2e: {  	s3 =	simm.s32 @!p0 $0x1082;
	s9 =	sld [smem:$0x3FB4]  }
0x2f: {  	lr =	sadd.s32 s0, s3;
	s0 =	sld [smem:$0x3FAB]  }
0x30: {  	s3 =	sld [smem:$0x3FAE]  }
0x31: {  	[smem:$0x3FB7] =	sst s10  }
0x32: {  	s10 =	sld [smem:$0x3FB5];
	_ =	sdelay $0x3  }
0x33: {  	p0 =	seq.s32 s10, $0x1;
	s10 =	sld [smem:$0x3FB7];
	_ =	sdelay $0x3  }
0x34: {  	[smem:$0x3FB7] =	sst s10  }
0x35: {  	s10 =	sld [smem:$0x3FB6];
	_ =	sdelay $0x3  }
0x36: {  	p1 =	seq.s32 s10, $0x1;
	s10 =	sld [smem:$0x3FB7];
	_ =	sdelay $0x3  }
0x37: {  	[smem:$0x3FB7] =	sst s10  }
0x38: {  	s10 =	sld [smem:$0x3FB8]  }
0x39: {  	_ = 	snop;
	(pc) =	sbr.ind lr, $3  }
0x3a: {  	_ = 	snop  }
0x3b: {  	_ = 	snop  }
0x3c: {  	p2 =	seq.s32 s10, $0x1;
	s10 =	sld [smem:$0x3FB7]  }
0x3d: {  	_ =	shalt  }
0x3e: {  	_ =	shalt  }
0x3f: {  	_ =	shalt  }
0x40: {  	_ =	shalt  }
0x41: {  	_ =	shalt  }
0x42: {  	_ =	shalt  }
0x43: {  	_ =	shalt  }
0x44: {  	_ =	shalt  }
0x45: {  	_ =	shalt  }
0x46: {  	_ =	shalt  }
0x47: {  	_ =	shalt  }
0x48: {  	_ =	shalt  }
0x49: {  	_ =	shalt  }
0x4a: {  	_ =	shalt  }
0x4b: {  	_ =	shalt  }
0x4c: {  	_ =	shalt  }
0x4d: {  	_ =	shalt  }
0x4e: {  	_ =	shalt  }
0x4f: {  	_ =	shalt  }
0x50: {  	_ =	shalt  }
0x51: {  	_ =	shalt  }
0x52: {  	_ =	shalt  }
0x53: {  	_ =	shalt  }
0x54: {  	_ =	shalt  }
0x55: {  	_ =	shalt  }
0x56: {  	_ =	shalt  }
0x57: {  	_ =	shalt  }
0x58: {  	_ =	shalt  }
0x59: {  	_ =	shalt  }
0x5a: {  	_ =	shalt  }
0x5b: {  	_ =	shalt  }
0x5c: {  	_ =	shalt  }
0x5d: {  	_ =	shalt  }
0x5e: {  	_ =	shalt  }
0x5f: {  	_ =	shalt  }
0x60: {  	_ =	shalt  }
0x61: {  	_ =	shalt  }
0x62: {  	_ =	shalt  }
0x63: {  	_ =	shalt  }
0x64: {  	_ =	shalt  }
0x65: {  	_ =	shalt  }
0x66: {  	_ =	shalt  }
0x67: {  	_ =	shalt  }
0x68: {  	_ =	shalt  }
0x69: {  	_ =	shalt  }
0x6a: {  	_ =	shalt  }
0x6b: {  	_ =	shalt  }
0x6c: {  	_ =	shalt  }
0x6d: {  	_ =	shalt  }
0x6e: {  	_ =	shalt  }
0x6f: {  	_ =	shalt  }
0x70: {  	_ =	shalt  }
0x71: {  	_ =	shalt  }
0x72: {  	_ =	shalt  }
0x73: {  	_ =	shalt  }
0x74: {  	_ =	shalt  }
0x75: {  	_ =	shalt  }
0x76: {  	_ =	shalt  }
0x77: {  	_ =	shalt  }
0x78: {  	_ =	shalt  }
0x79: {  	_ =	shalt  }
0x7a: {  	_ =	shalt  }
0x7b: {  	_ =	shalt  }
0x7c: {  	_ =	shalt  }
0x7d: {  	_ =	shalt  }
0x7e: {  	_ =	shalt  }
0x7f: {  	_ =	shalt  }
0x80: {  	_ =	shalt  }
0x81: {  	_ =	shalt  }
0x82: {  	_ =	shalt  }
0x83: {  	_ =	shalt  }
0x84: {  	_ =	shalt  }
0x85: {  	_ =	shalt  }
0x86: {  	_ =	shalt  }
0x87: {  	_ =	shalt  }
.Lfunc_end0:
.L_simem_size_0:
called_computation_lowered:
.L_overlay_start_0:
0x88: {  	s2 =	sld [smem:$0x3FD9]  }
0x89: {  	s3 =	sld [smem:$0x3FFE];
	_ =	sdelay $0x1  }
0x8a: {  	s1 =	srdreg.scid  }
0x8b: {  	s0 =	sand.u32 $0x1, s1  }
0x8c: {  	s17 =	sshll.u32 s0, $0xA;
	s2 =	sadd.s32 s3, s2  }
0x8d: {  	s2 =	sadd.s32 s2, s17  }
0x8e: {  	[smem:$0x3FC3] =	sst s2  }
0x8f: {  	_ = 	snop  }
0x90: {  	s2 =	sld [smem:$0x3FC9]  }
0x91: {  	s18 =	sld [smem:$0x3FC8]  }
0x92: {  	s4 =	sld [smem:$0x3FC5]  }
0x93: {  	s5 =	sld [smem:$0x3FD0];
	(tm) =	ssettm $0x1  }
0x94: {  	s6 =	sld [smem:$0x3FFB];
	_ =	sdelay $0x3  }
0x95: {  	_ =	strace s6  }
0x96: {  	s6 =	sld [smem:$0x3FFC];
	_ =	sdelay $0x3  }
0x97: {  	_ =	strace s6  }
0x98: {  	s6 =	sld [smem:$0x3FFD];
	_ =	sdelay $0x3  }
0x99: {  	_ =	strace s6  }
0x9a: {  	_ =	strace $0x8FFFFFFF  }
0x9b: {  	s19 =	sld [smem:$0x3FDB];
	_ =	sdelay $0x1  }
0x9c: {  	s7 =	simm.s32 $_scs_section_size  }
0x9d: {  	s8 =	simm.s32 $_size__tile_overlayer_lowered;
	s9 =	simm.s32 $_tile_overlayer_lowered  }
0x9e: {  	s22 =	simm.s32 $0x1BFF;
	s21 =	sshll.u32 s9, $0x1;
	s6 =	sadd.s32 s7, s19  }
0x9f: {  	s10 =	simm.s32 $0x0;
	s20 =	sshll.u32 s8, $0x1;
	s8 =	sadd.s32 s21, s6  }
0xa0: {  	[timem:s10], [sflag:s22] =	dma.local [hbm:s8], s20  }
0xa1: {  	_ =	swait.ge [sflag:s22], s20  }
0xa2: {  	s7 =	ssub.s32 $0x0, s20;
	[sflag:s22] =	ssyncset.done $0x0  }
0xa3: {  	[sflag:s22] =	ssyncadd.s32 s7;
	_ =	sdelay $0x1  }
0xa4: {  	s23 =	simm.s32 $0x1B8B  }
0xa5: {  	_ =	swait.ge [sflag:s23], $0x1  }
0xa6: {  	[sflag:s23] =	ssyncset.done $0x0  }
0xa7: {  	s25 =	simm.s32 $0x1B8E;
	s24 =	sld [smem:$0x3FFE];
	[sflag:s23] =	ssyncadd.s32 $0xFFFFFFFF  }
0xa8: {  	s26 =	simm.s32 $execute0_lowered;
	[smem:$0x3FD2] =	sst s25  }
0xa9: {  	s8 =	sshll.u32 s26, $0x1;
	_ =	strace $0x80000046;
	[dreg:$0x1] =	wrdreg $0xFFFFFFFF  }
0xaa: {  	s28 =	simm.s32 $_size_execute0_lowered;
	s6 =	sadd.s32 s6, s8;
	[dreg:$0x0] =	wrdreg $0x0  }
0xab: {  	s8 =	sshll.u32 s28, $0x1;
	[dreg:$0x2] =	wrdreg s6  }
0xac: {  	[dreg:$0x3] =	wrdreg s8  }
0xad: {  	[dreg:$0x4] =	wrdreg $0xC0  }
0xae: {  	_ =	task [dreg:s10], $0x5FFFF  }
0xaf: {  	[dreg:$0x1] =	wrdreg $0xFFFFFFFF  }
0xb0: {  	[dreg:$0x0] =	wrdreg $0x60  }
0xb1: {  	[dreg:$0x2] =	wrdreg s2  }
0xb2: {  	[dreg:$0x3] =	wrdreg s18  }
0xb3: {  	[dreg:$0x4] =	wrdreg s24  }
0xb4: {  	[dreg:$0x5] =	wrdreg s4  }
0xb5: {  	[dreg:$0x6] =	wrdreg s5  }
0xb6: {  	[dreg:$0x7] =	wrdreg $0x9  }
0xb7: {  	_ =	task.clear_ibuf [dreg:s10], $0x8FFFF;
	_ =	strace $0x90000046  }
0xb8: {  	s29 =	simm.s32 $0x9;
	_ =	strace $0x80000048  }
0xb9: {  	_ =	swait.ge [sflag:s29], $0x1  }
0xba: {  	[sflag:s29] =	ssyncadd.s32 $0xFFFFFFFF  }
0xbb: {  	_ =	strace $0x90000048  }
0xbc: {  	_ =	sfence  }
0xbd: {  	s30 =	sld [smem:$0x0];
	_ =	sdelay $0x2  }
0xbe: {  	s31 =	sshll.u32 s1, $0xD;
	s1 =	sshrl.u32 s1, $0x2  }
0xbf: {  	s3 =	sand.u32 $0x4000, s31;
	s1 =	sadd.s32 s1, s30  }
0xc0: {  	s0 =	sor.u32 s3, s0;
	s1 =	sshll.u32 s1, $0x11  }
0xc1: {  	s0 =	sor.u32 s1, s0  }
0xc2: {  	s0 =	sadd.s32 $0x8F2B, s0  }
0xc3: {  	[sflag:s0] =	ssyncadd.remote.s32 $0x1  }
0xc4: {  	_ =	sfence.sel $0xFFFF  }
0xc5: {  	[dreg:$0x0] =	wrdreg $0xFFFFFFFF;
	(pc) =	sbr.abs _section_cstart, $3  }
0xc6: {  	[dreg:$0x1] =	wrdreg $0xFFFFFFFF  }
0xc7: {  	_ =	task.clear_ibuf [dreg:s10], $0x2FFFF;
	_ =	strace $0x9FFFFFFF  }
0xc8: {  	(tm) =	ssettm $0x7FFFFFFF  }
0xc9: {  	_ =	shalt  }
tec
execute0_lowered:
.L_overlay_start_1:
0x0: {  	(tag) =	ssettag $0x1  }
0x1: {  	v0 =	vimm.s32 $0xEFCDAB89;
	v1 =	vimm.s32 $0x67452301  }
0x2: {  	v2 =	vimm.s32 $0xDCFE98BA;
	s6 =	rddreg [dreg:$0x0];
	v3 =	vimm.s32 $0x54761032;
	v4 =	vimm.s32 $0xBA98FEDC  }
0x3: {  	s7 =	rddreg [dreg:$0x1];
	v5 =	vimm.s32 $0x32107654;
	v6 =	vimm.s32 $0xFEDCBA98;
	v7 =	vimm.s32 $0x76543210  }
0x4: {  	s5 =	rddreg [dreg:$0x2];
	vm0 =	vmmov $0x1;
	vm1 =	vmmov $0x3;
	vm2 =	vmmov $0x7  }
0x5: {  	s0 =	rddreg [dreg:$0x3];
	vm3 =	vmmov $0xf;
	vm4 =	vmmov $0x1f;
	vm5 =	vmmov $0x3f  }
0x6: {  	s8 =	rddreg [dreg:$0x4];
	vm6 =	vmmov $0x7f;
	vm7 =	vmmov $0xff;
	vm8 =	vmmov $0x1ff  }
0x7: {  	s1 =	rddreg [dreg:$0x5];
	s2 =	simm.s32 $0x0;
	vm9 =	vmmov $0x3ff;
	vm10 =	vmmov $0x7ff;
	vm11 =	vmmov $0xfff  }
0x8: {  	s9 =	srdreg.scid;
	s3 =	stileid.u32;
	s13 =	simm.s32 $0x8600;
	vm12 =	vmmov $0x1fff;
	v0 =	vunpack.c.l.s4.s8 v0;
	v1 =	vunpack.c.l.s4.s8 v1  }
0x9: {  	s14 =	simm.s32 $0x10600;
	s15 =	simm.s32 $0x400;
	s16 =	simm.s32 $0x10800;
	v2 =	vunpack.c.l.s4.s8 v2;
	v3 =	vunpack.c.l.s4.s8 v3;
	v4 =	vunpack.c.l.s4.s8 v4  }
0xa: {  	s17 =	simm.s32 $0x1;
	s18 =	simm.s32 $0x10A00;
	s19 =	simm.s32 $0x0;
	v5 =	vunpack.c.l.s4.s8 v5;
	v6 =	vunpack.c.l.s4.s8 v6;
	v7 =	vunpack.c.l.s4.s8 v7  }
0xb: {  	[smem:$0x7FF] =	sst s2;
	s4 =	sadd.s32 $0x188A00, s5;
	s9 =	sand.u32 $0x1, s9;
	v0 =	vunpack.c.0.s8.s32 v0;
	v1 =	vunpack.c.0.s8.s32 v1;
	v2 =	vunpack.c.0.s8.s32 v2  }
0xc: {  	s11 =	sshll.u32 s3, $0x7;
	s5 =	sadd.s32 $0x24C000, s5;
	s10 =	ssub.s32 $0x2, s9;
	v3 =	vunpack.c.0.s8.s32 v3;
	v4 =	vunpack.c.0.s8.s32 v4;
	v5 =	vunpack.c.0.s8.s32 v5  }
0xd: {  	vm13 =	vmmov $0x3fff;
	_ =	strace $0x80000047;
	s9 =	sshll.u32 s9, $0x6;
	s12 =	sshrl.u32 s10, $0x1;
	v0 =	vcombine.low v1, v0;
	v1 =	vunpack.c.0.s8.s32 v6  }
0xe: {  	s9 =	sor.u32 s9, s11;
	s11 =	simm.s32 $0x200;
	s10 =	ssub.s32 s10, s12;
	v2 =	vcombine.low v3, v2;
	v3 =	vcombine.low v5, v4;
	v4 =	vunpack.c.0.s8.s32 v7  }
0xf: {  	vm14 =	vmmov $0x7fff;
	s6 =	sadd.s32 s6, s9;
	s7 =	sadd.s32 s7, s9;
	s8 =	sadd.s32 s8, s9;
	v0 =	vand.u32 $0xF, v0;
	v5 =	vand.u32 $0xF, v1  }
0x10: {  	s12 =	simm.s32 $0x600;
	s9 =	smax.u32 s10, $0x1;
	s10 =	simm.s32 $0x2;
	v1 =	vand.u32 $0xF, v2;
	v2 =	vand.u32 $0xF, v3;
	v3 =	vcombine.low v5, v4  }
.LBB2_1:
0x11: {  	[tilespmem:s2], [sflag:$0x2] =	stream.linear.gather [hbm4b:s6+s2], $0x200, $0x38;
	[tilespmem:$0x10C00] =	vst v63  }
0x12: {  	_ =	swait.ge [sflag:s10], $0x200  }
0x13: {  	[sflag:s10] =	ssyncset.done $0x0  }
0x14: {  	[sflag:s10] =	ssyncadd.s32 $0xFFFFFE00  }
0x15: {  	[tilespmem:s11], [sflag:$0x2] =	stream.linear.gather [hbm4b:s7+s2], $0x200, $0x38;
	[tilespmem:$0x10C00] =	vst v63  }
0x16: {  	_ =	swait.ge [sflag:s10], $0x200  }
0x17: {  	[sflag:s10] =	ssyncset.done $0x0  }
0x18: {  	s20 =	simm.s32 $0x0;
	[sflag:s10] =	ssyncadd.s32 $0xFFFFFE00  }
0x19: {  	s21 =	simm.s32 $0x40;
	v4 =	vld [tilespmem:s20+$0x200]  }
.LBB2_2:
0x1a: {  	p0 =	sne.s32 s21, $0x7C0  }
.Ltmp0:
0x1b: {  	_ = 	snop;
	(pc) =	sbr.rel @p0 .LBB2_2-.Ltmp0, $3  }
0x1c: {  	_ =	sdelay $0x1  }
0x1d: {  	s22 =	sshra.s32 s21, $0x2;
	s21 =	sadd.s32 $0x40, s21;
	v5 =	vadd.s32 $0x186A0, v4  }
0x1e: {  	v4 =	vld [tilespmem:s22+$0x200];
	[tilespmem:s20+$0x400] =	vst v5;
	s20 =	smov.u32 s22  }
0x1f: {  	_ =	sdelay $0x3  }
0x20: {  	v4 =	vadd.s32 $0x186A0, v4  }
0x21: {  	s31 =	simm.s32 $0x0;
	[tilespmem:s20+$0x400] =	vst v4  }
0x22: {  	[tilespmem:s12], [sflag:$0x1] =	stream.indirect.gather [hbm4b:s4+s11], $0x40, s31, s11, $0xb8;
	[tilespmem:$0x10C00] =	vst v63  }
0x23: {  	_ = 	snop  }
0x24: {  	[tilespmem:s13], [sflag:$0x1] =	stream.indirect.gather [hbm4b:s5+s11], $0x40, s11, s11, $0xb8;
	[tilespmem:$0x10C00] =	vst v63  }
0x25: {  	_ = 	snop  }
0x26: {  	[tilespmem:s14], [sflag:$0x1] =	stream.indirect.gather [hbm4b:s0+s11], $0x1, s31, s11, $0xb8;
	[tilespmem:$0x10C00] =	vst v63  }
0x27: {  	_ = 	snop  }
0x28: {  	[tilespmem:s16], [sflag:$0x1] =	stream.indirect.gather [hbm4b:s0+s11], $0x1, s15, s11, $0xb8;
	[tilespmem:$0x10C00] =	vst v63  }
0x29: {  	_ =	swait.ge [sflag:s17], $0x8000  }
0x2a: {  	[sflag:s17] =	ssyncset.done $0x0  }
0x2b: {  	[sflag:s17] =	ssyncadd.s32 $0xFFFF8000  }
0x2c: {  	_ =	swait.ge [sflag:s17], $0x8000  }
0x2d: {  	[sflag:s17] =	ssyncset.done $0x0  }
0x2e: {  	[sflag:s17] =	ssyncadd.s32 $0xFFFF8000  }
0x2f: {  	_ =	swait.ge [sflag:s17], $0x200  }
0x30: {  	[sflag:s17] =	ssyncset.done $0x0  }
0x31: {  	[sflag:s17] =	ssyncadd.s32 $0xFFFFFE00  }
0x32: {  	_ =	swait.ge [sflag:s17], $0x200  }
0x33: {  	[sflag:s17] =	ssyncset.done $0x0  }
0x34: {  	s20 =	simm.s32 $0x8800;
	[sflag:s17] =	ssyncadd.s32 $0xFFFFFE00  }
0x35: {  	s21 =	simm.s32 $0x800;
	v10 =	vld [tilespmem:s20+$0x1B0]  }
0x36: {  	v20 =	vld [tilespmem:s21+$0x1B0]  }
0x37: {  	v13 =	vld [tilespmem:s20+$0x1A0]  }
0x38: {  	v19 =	vld [tilespmem:s21+$0x1A0]  }
0x39: {  	v9 =	vld [tilespmem:s20+$0x130]  }
0x3a: {  	v18 =	vld [tilespmem:s21+$0x130]  }
0x3b: {  	v8 =	vld [tilespmem:s20+$0x120]  }
0x3c: {  	v17 =	vld [tilespmem:s21+$0x120]  }
0x3d: {  	v11 =	vld [tilespmem:s20+$0x170]  }
0x3e: {  	v15 =	vld [tilespmem:s21+$0x170]  }
0x3f: {  	v22 =	vld [tilespmem:s20+$0x160]  }
0x40: {  	v36 =	vld [tilespmem:s21+$0x160]  }
0x41: {  	v37 =	vld [tilespmem:s20+$0x150]  }
0x42: {  	v38 =	vld [tilespmem:s21+$0x150]  }
0x43: {  	v4 =	vld [tilespmem:s20+$0xE0]  }
0x44: {  	v28 =	vld [tilespmem:s20+$0xD0]  }
0x45: {  	v29 =	vld [tilespmem:s21+$0xD0]  }
0x46: {  	v23 =	vld [tilespmem:s20+$0xFFFFFFF0]  }
0x47: {  	v25 =	vld [tilespmem:s21+$0xFFFFFFF0]  }
0x48: {  	v21 =	vld [tilespmem:s20+$0x90]  }
0x49: {  	v26 =	vld [tilespmem:s20+$0xFFFFFE40]  }
0x4a: {  	v27 =	vld [tilespmem:s21+$0xFFFFFE40]  }
0x4b: {  	v39 =	vld [tilespmem:s20+$0x70]  }
0x4c: {  	v40 =	vld [tilespmem:s21+$0x70]  }
0x4d: {  	v41 =	vld [tilespmem:s20+$0x60]  }
0x4e: {  	v42 =	vld [tilespmem:s21+$0x60]  }
0x4f: {  	v30 =	vld [tilespmem:s21+$0x90]  }
0x50: {  	v43 =	vld [tilespmem:s21+$0x50]  }
0x51: {  	v44 =	vld [tilespmem:s20+$0x50]  }
0x52: {  	v45 =	vld [tilespmem:s20+$0x40]  }
0x53: {  	v46 =	vld [tilespmem:s21+$0x40]  }
0x54: {  	v12 =	vld [tilespmem:s20+$0x20]  }
0x55: {  	v33 =	vld [tilespmem:s20+$0xFFFFFE10]  }
0x56: {  	v34 =	vld [tilespmem:s21+$0xFFFFFE10]  }
0x57: {  	v31 =	vld [tilespmem:s20+$0x10]  }
0x58: {  	v32 =	vld [tilespmem:s21+$0x10]  }
0x59: {  	v14 =	vld [tilespmem:s20+$0x0]  }
0x5a: {  	v47 =	vld [tilespmem:s20+$0xFFFFFFD0]  }
0x5b: {  	v48 =	vld [tilespmem:s21+$0xFFFFFFD0]  }
0x5c: {  	v16 =	vld [tilespmem:s20+$0xFFFFFFC0]  }
0x5d: {  	v49 =	vld [tilespmem:s21+$0xFFFFFEF0]  }
0x5e: {  	v50 =	vld [tilespmem:s20+$0xFFFFFFB0]  }
0x5f: {  	v51 =	vld [tilespmem:s21+$0xFFFFFFB0]  }
0x60: {  	v52 =	vld [tilespmem:s20+$0xFFFFFFA0]  }
0x61: {  	v53 =	vld [tilespmem:s21+$0xFFFFFFA0]  }
0x62: {  	v54 =	vld [tilespmem:s20+$0xFFFFFF90]  }
0x63: {  	v55 =	vld [tilespmem:s21+$0xFFFFFF90]  }
0x64: {  	v56 =	vld [tilespmem:s20+$0xFFFFFF80]  }
0x65: {  	v57 =	vld [tilespmem:s21+$0xFFFFFF80]  }
0x66: {  	v24 =	vld [tilespmem:s20+$0xFFFFFEB0]  }
0x67: {  	v58 =	vld [tilespmem:s20+$0xFFFFFF70]  }
0x68: {  	v59 =	vld [tilespmem:s21+$0xFFFFFF70]  }
0x69: {  	v60 =	vld [tilespmem:s20+$0xFFFFFF60]  }
0x6a: {  	v61 =	vld [tilespmem:s21+$0xFFFFFF60]  }
0x6b: {  	v62 =	vld [tilespmem:s20+$0xFFFFFF50]  }
0x6c: {  	v63 =	vld [tilespmem:s21+$0xFFFFFF50]  }
0x6d: {  	v5 =	vld [tilespmem:s20+$0xFFFFFF40]  }
0x6e: {  	v7 =	vld [tilespmem:s21+$0xFFFFFF30]  }
0x6f: {  	v6 =	vld [tilespmem:s20+$0xFFFFFF20]  }
0x70: {  	v35 =	vld [tilespmem:s20+$0xFFFFFE30]  }
0x71: {  	[tilespmem:$0x1FFF0] =	vst v4;
	v4 =	vld [tilespmem:s21+$0xA0]  }
0x72: {  	v43 =	vmul.f32 v44, v43;
	v44 =	vmul.f32 v45, v46;
	v45 =	vld [tilespmem:s20+$0xFFFFFF30]  }
0x73: {  	v46 =	vmul.f32 v54, v55;
	v55 =	vld [tilespmem:s21+$0xFFFFFF20]  }
0x74: {  	v57 =	vmul.f32 v56, v57;
	v56 =	vmul.f32 v52, v53;
	v52 =	vld [tilespmem:s20+$0xFFFFFE70]  }
0x75: {  	v54 =	vld [tilespmem:s20+$0xFFFFFED0]  }
0x76: {  	v11 =	vmul.f32 v11, v15;
	[tilespmem:$0x1FFE0] =	vst v4;
	v4 =	vld [tilespmem:s20+$0xC0]  }
0x77: {  	v15 =	vmul.f32 v22, v36;
	v22 =	vmul.f32 v37, v38;
	v38 =	vld [tilespmem:s20+$0xFFFFFE80]  }
0x78: {  	v41 =	vmul.f32 v41, v42;
	v53 =	vld [tilespmem:s21+$0x20];
	v42 =	vadd.f32 v43, v44  }
0x79: {  	v44 =	vld [tilespmem:s20+$0xFFFFFF10];
	v46 =	vadd.f32 v46, v57  }
0x7a: {  	v39 =	vmul.f32 v39, v40;
	v57 =	vmul.f32 v62, v63;
	v63 =	vld [tilespmem:s20+$0xFFFFFF00];
	v41 =	vadd.f32 v41, v42  }
0x7b: {  	v62 =	vmul.f32 v50, v51;
	v43 =	vadd.f32 v56, v46;
	[tilespmem:$0x1FFD0] =	vst v4;
	v4 =	vld [tilespmem:s20+$0x80]  }
0x7c: {  	v39 =	vadd.f32 v39, v41;
	v41 =	vld [tilespmem:s20+$0xFFFFFEA0]  }
0x7d: {  	v40 =	vadd.f32 v62, v43;
	v43 =	vld [tilespmem:s21+$0xFFFFFEA0]  }
0x7e: {  	v56 =	vmul.f32 v60, v61;
	v61 =	vld [tilespmem:s20+$0xFFFFFEF0]  }
0x7f: {  	v50 =	vld [tilespmem:s21+$0xFFFFFEE0];
	v60 =	vperm.xlane v40, v0  }
0x80: {  	[tilespmem:$0x1FFC0] =	vst v4;
	v4 =	vld [tilespmem:s21+$0xFFFFFF40]  }
0x81: {  	v46 =	vld [tilespmem:s21+$0xFFFFFE60];
	v40 =	vadd.f32 v40, v60  }
0x82: {  	v6 =	vmul.f32 v6, v55;
	v60 =	vld [tilespmem:s20+$0xFFFFFE90];
	v41 =	vmul.f32 v41, v43  }
0x83: {  	v43 =	vmul.f32 v61, v49;
	v61 =	vld [tilespmem:s21+$0xFFFFFE90];
	v55 =	vperm.xlane v40, v1  }
0x84: {  	v7 =	vmul.f32 v45, v7;
	v45 =	vld [tilespmem:s21+$0xFFFFFEB0]  }
0x85: {  	v36 =	vadd.f32 v40, v55;
	v40 =	vmul.f32 v47, v48;
	v48 =	vld [tilespmem:s21+$0xFFFFFFC0];
	v4 =	vmul.f32 v5, v4  }
0x86: {  	v5 =	vld [tilespmem:s21+$0xFFFFFF10]  }
0x87: {  	v58 =	vmul.f32 v58, v59;
	v4 =	vadd.f32 v57, v4;
	v57 =	vld [tilespmem:s21+$0xFFFFFF00]  }
0x88: {  	v10 =	vmul.f32 v10, v20;
	v37 =	vmul.f32 v60, v61;
	v60 =	vld [tilespmem:s21+$0xFFFFFE80]  }
0x89: {  	v12 =	vmul.f32 v12, v53;
	v53 =	vld [tilespmem:$0x1FFE0];
	v59 =	vperm.xlane v39, v0  }
0x8a: {  	v13 =	vmul.f32 v13, v19;
	v17 =	vmul.f32 v8, v17;
	v47 =	vld [tilespmem:s20+$0xFFFFFE20];
	v4 =	vadd.f32 v56, v4  }
0x8b: {  	v21 =	vmul.f32 v21, v30;
	v39 =	vadd.f32 v39, v59;
	v55 =	vld [tilespmem:s20+$0xFFFFFE60];
	v30 =	vmul.f32 v16, v48  }
0x8c: {  	v48 =	vld [tilespmem:s21+$0x140];
	v5 =	vmul.f32 v44, v5;
	v4 =	vadd.f32 v58, v4;
	v42 =	vmul.f32 v63, v57  }
0x8d: {  	v8 =	vmul.f32 v38, v60;
	v38 =	vld [tilespmem:s20+$0x1F0];
	v63 =	vperm.xlane v39, v1  }
0x8e: {  	v18 =	vmul.f32 v9, v18;
	v56 =	vld [tilespmem:s21+$0xFFFFFED0];
	v62 =	vperm.xlane v4, v0;
	v5 =	vadd.f32 v5, v42  }
0x8f: {  	v28 =	vmul.f32 v28, v29;
	v8 =	vadd.f32 v37, v8;
	v58 =	vld [tilespmem:s21+$0xFFFFFEC0];
	v39 =	vadd.f32 v39, v63  }
0x90: {  	v23 =	vmul.f32 v23, v25;
	v4 =	vadd.f32 v4, v62;
	v5 =	vadd.f32 v6, v5;
	v6 =	vld [tilespmem:s20+$0xFFFFFEC0]  }
0x91: {  	v26 =	vmul.f32 v26, v27;
	v33 =	vmul.f32 v33, v34;
	v44 =	vld [tilespmem:s20+$0xFFFFFEE0];
	v8 =	vadd.f32 v41, v8  }
0x92: {  	v41 =	vld [tilespmem:s20+$0xA0];
	v59 =	vperm.xlane v39, v2;
	v57 =	vperm.xlane v4, v1;
	v5 =	vadd.f32 v7, v5  }
0x93: {  	v42 =	vmul.f32 v54, v56;
	v56 =	vld [tilespmem:s21+$0xFFFFFE00];
	v7 =	vperm.xlane v36, v2  }
0x94: {  	v39 =	vadd.f32 v39, v59;
	v59 =	vld [tilespmem:s20+$0xFFFFFE00];
	v4 =	vadd.f32 v4, v57;
	v62 =	vperm.xlane v5, v0  }
0x95: {  	v31 =	vmul.f32 v31, v32;
	v57 =	vld [tilespmem:s20+$0xFFFFFE50];
	v36 =	vadd.f32 v36, v7;
	v6 =	vmul.f32 v6, v58  }
0x96: {  	v24 =	vmul.f32 v24, v45;
	v7 =	vperm.xlane v4, v2;
	v58 =	vld [tilespmem:s21+$0xFFFFFE50];
	v5 =	vadd.f32 v5, v62  }
0x97: {  	v44 =	vmul.f32 v44, v50;
	v54 =	vperm.xlane v36, v3;
	v62 =	vld [tilespmem:s21+$0xFFFFFE20];
	v6 =	vadd.f32 v42, v6  }
0x98: {  	v50 =	vld [tilespmem:s21+$0x0];
	v63 =	vperm.xlane v39, v3;
	v4 =	vadd.f32 v4, v7;
	v7 =	vperm.xlane v5, v1  }
0x99: {  	v46 =	vmul.f32 v55, v46;
	v9 =	vadd.f32 v36, v54;
	v54 =	vld [tilespmem:s20+$0xFFFFFFE0];
	v6 =	vadd.f32 v44, v6  }
0x9a: {  	v44 =	vmul.f32 v59, v56;
	v5 =	vadd.f32 v5, v7;
	v7 =	vadd.f32 v39, v63;
	v63 =	vld [tilespmem:s21+$0xFFFFFE70]  }
0x9b: {  	v8 =	vadd.f32 v24, v8;
	v20 =	vperm.xlane v4, v3;
	v59 =	vld [tilespmem:s20+$0x30];
	v19 =	vmul.f32 v57, v58  }
0x9c: {  	v6 =	vadd.f32 v43, v6;
	v43 =	vld [tilespmem:s21+$0xFFFFFE30];
	v32 =	vadd.f32 v33, v44;
	v25 =	vmul.f32 v47, v62  }
0x9d: {  	v57 =	vld [tilespmem:s21+$0x80];
	v16 =	vadd.f32 v4, v20;
	v61 =	vperm.xlane v5, v2;
	v19 =	vadd.f32 v19, v26  }
0x9e: {  	v4 =	vmul.f32 v14, v50;
	v62 =	vadd.f32 v40, v30;
	v40 =	vld [tilespmem:s21+$0xC0];
	v39 =	vperm.xlane v6, v0  }
0x9f: {  	v5 =	vadd.f32 v5, v61;
	v19 =	vadd.f32 v46, v19;
	v61 =	vld [tilespmem:s21+$0x30];
	v51 =	vmul.f32 v52, v63  }
0xa0: {  	v25 =	vadd.f32 v25, v32;
	v4 =	vadd.f32 v31, v4;
	v46 =	vld [tilespmem:s20+$0x140];
	v63 =	vperm.xlane v8, v0  }
0xa1: {  	v6 =	vadd.f32 v6, v39;
	v52 =	vld [tilespmem:s21+$0xFFFFFFE0];
	v29 =	vmul.f32 v35, v43;
	v19 =	vadd.f32 v51, v19  }
0xa2: {  	v50 =	vld [tilespmem:s20+$0xB0];
	v4 =	vadd.f32 v12, v4;
	v55 =	vperm.xlane v5, v3;
	v8 =	vadd.f32 v8, v63  }
0xa3: {  	v49 =	vperm.xlane v6, v1;
	v51 =	vld [tilespmem:$0x1FFD0];
	v25 =	vadd.f32 v29, v25;
	v58 =	vperm.xlane v19, v0  }
0xa4: {  	v43 =	vld [tilespmem:s21+$0xE0];
	v5 =	vadd.f32 v5, v55;
	v47 =	vperm.xlane v8, v1;
	v20 =	vmul.f32 v59, v61  }
0xa5: {  	v6 =	vadd.f32 v6, v49;
	v49 =	vld [tilespmem:$0x1FFC0];
	v32 =	vmul.f32 v46, v48;
	v60 =	vperm.xlane v25, v0  }
0xa6: {  	v61 =	vld [tilespmem:s21+$0xB0];
	v26 =	vmul.f32 v54, v52;
	v19 =	vadd.f32 v19, v58;
	v8 =	vadd.f32 v8, v47  }
0xa7: {  	v52 =	vld [tilespmem:s20+$0x100];
	v56 =	vperm.xlane v6, v2;
	v4 =	vadd.f32 v20, v4;
	v22 =	vadd.f32 v22, v32  }
0xa8: {  	v54 =	vld [tilespmem:s21+$0x100];
	v14 =	vadd.f32 v25, v60;
	v26 =	vadd.f32 v26, v62;
	v24 =	vmul.f32 v51, v40  }
0xa9: {  	v63 =	vld [tilespmem:s20+$0x180];
	v6 =	vadd.f32 v6, v56;
	v44 =	vperm.xlane v19, v1;
	v55 =	vperm.xlane v8, v2  }
0xaa: {  	v59 =	vld [tilespmem:s21+$0x110];
	v40 =	vperm.xlane v4, v0;
	v15 =	vadd.f32 v15, v22;
	v45 =	vperm.xlane v14, v1  }
0xab: {  	v46 =	vld [tilespmem:s21+$0x180];
	v12 =	vmul.f32 v49, v57;
	v23 =	vadd.f32 v23, v26;
	v24 =	vadd.f32 v28, v24  }
0xac: {  	v56 =	vld [tilespmem:s20+$0x110];
	v48 =	vmul.f32 v50, v61;
	v42 =	vperm.xlane v6, v3;
	v19 =	vadd.f32 v19, v44  }
0xad: {  	v47 =	vld [tilespmem:s20+$0x190];
	v8 =	vadd.f32 v8, v55;
	v25 =	vmul.f32 v52, v54;
	v4 =	vadd.f32 v4, v40  }
0xae: {  	v57 =	vld [tilespmem:$0x1FFF0];
	v11 =	vadd.f32 v11, v15;
	v12 =	vadd.f32 v21, v12;
	v21 =	vmul.f32 v41, v53  }
0xaf: {  	v49 =	vld [tilespmem:s21+$0x190];
	v14 =	vadd.f32 v14, v45;
	v60 =	vperm.xlane v23, v0;
	v62 =	vperm.xlane v19, v2  }
0xb0: {  	v50 =	vld [tilespmem:s20+$0x1D0];
	v6 =	vadd.f32 v6, v42;
	v41 =	vperm.xlane v8, v3;
	v52 =	vperm.xlane v4, v1  }
0xb1: {  	v44 =	vld [tilespmem:s20+$0xF0];
	v58 =	vperm.xlane v14, v2;
	v23 =	vadd.f32 v23, v60;
	v26 =	vmul.f32 v56, v59  }
0xb2: {  	v53 =	vld [tilespmem:s21+$0x1D0];
	v12 =	vadd.f32 v21, v12;
	v56 =	vperm.xlane v11, v0;
	v19 =	vadd.f32 v19, v62  }
0xb3: {  	v42 =	vld [tilespmem:s21+$0xF0];
	v27 =	vmul.f32 v57, v43;
	v8 =	vadd.f32 v8, v41;
	v4 =	vadd.f32 v4, v52  }
0xb4: {  	v35 =	vld [tilespmem:s21+$0x1F0];
	v59 =	vmul.f32 v47, v49;
	v14 =	vadd.f32 v14, v58;
	v45 =	vperm.xlane v23, v1  }
0xb5: {  	v32 =	vld [tilespmem:s20+$0x1E0];
	v12 =	vadd.f32 v48, v12;
	v25 =	vadd.f32 v26, v25;
	v58 =	vmul.f32 v63, v46  }
0xb6: {  	v55 =	vld [tilespmem:s20+$0x1C0];
	v11 =	vadd.f32 v11, v56;
	v51 =	vperm.xlane v19, v3;
	v63 =	vperm.xlane v4, v2  }
0xb7: {  	v57 =	vld [tilespmem:s21+$0x1C0];
	v24 =	vadd.f32 v27, v24;
	v34 =	vmul.f32 v50, v53;
	v43 =	vperm.xlane v14, v3  }
0xb8: {  	v61 =	vld [tilespmem:s21+$0x1E0];
	v23 =	vadd.f32 v23, v45;
	v28 =	vmul.f32 v44, v42;
	v17 =	vadd.f32 v17, v25  }
0xb9: {  	v62 =	vperm.xlane v12, v0;
	v15 =	vadd.f32 v59, v58;
	v41 =	vperm.xlane v11, v1  }
0xba: {  	v44 =	vmul.f32 v38, v35;
	v19 =	vadd.f32 v19, v51;
	v4 =	vadd.f32 v4, v63  }
0xbb: {  	v14 =	vadd.f32 v14, v43;
	v54 =	vperm.xlane v23, v2;
	v24 =	vadd.f32 v28, v24  }
0xbc: {  	v17 =	vadd.f32 v18, v17;
	v12 =	vadd.f32 v12, v62;
	v37 =	vmul.f32 v55, v57  }
0xbd: {  	v18 =	vmul.f32 v32, v61;
	v13 =	vadd.f32 v13, v15;
	v11 =	vadd.f32 v11, v41  }
0xbe: {  	v45 =	vperm.xlane v4, v3;
	v23 =	vadd.f32 v23, v54;
	v36 =	vperm.xlane v17, v0  }
0xbf: {  	v39 =	vperm.xlane v12, v1;
	v40 =	vperm.xlane v24, v0;
	v20 =	vadd.f32 v34, v37  }
0xc0: {  	v14 =	vsel vm0, v14, v19;
	v10 =	vadd.f32 v10, v13;
	v19 =	vperm.xlane v11, v2  }
0xc1: {  	v8 =	vsel vm1, v14, v8;
	v4 =	vadd.f32 v4, v45;
	v18 =	vadd.f32 v18, v20  }
0xc2: {  	v60 =	vperm.xlane v23, v3;
	v17 =	vadd.f32 v17, v36;
	v12 =	vadd.f32 v12, v39  }
0xc3: {  	v42 =	vadd.f32 v24, v40;
	v6 =	vsel vm2, v8, v6;
	v18 =	vadd.f32 v44, v18  }
0xc4: {  	v47 =	vperm.xlane v10, v0;
	v11 =	vadd.f32 v11, v19;
	v5 =	vsel vm3, v6, v5  }
0xc5: {  	v22 =	vadd.f32 v23, v60;
	v48 =	vperm.xlane v42, v1;
	v49 =	vperm.xlane v18, v0  }
0xc6: {  	v43 =	vperm.xlane v17, v1;
	v46 =	vperm.xlane v12, v2;
	v8 =	vadd.f32 v10, v47  }
0xc7: {  	v6 =	vperm.xlane v11, v3;
	v51 =	vadd.f32 v42, v48;
	v52 =	vadd.f32 v18, v49  }
0xc8: {  	v5 =	vsel vm4, v5, v16;
	v15 =	vadd.f32 v17, v43;
	v54 =	vperm.xlane v8, v1  }
0xc9: {  	v5 =	vsel vm5, v5, v9;
	v55 =	vperm.xlane v51, v2;
	v56 =	vperm.xlane v52, v1  }
0xca: {  	v12 =	vadd.f32 v12, v46;
	v50 =	vperm.xlane v15, v2;
	v8 =	vadd.f32 v8, v54  }
0xcb: {  	v5 =	vsel vm6, v5, v22;
	v13 =	vadd.f32 v51, v55;
	v14 =	vadd.f32 v52, v56  }
0xcc: {  	v53 =	vperm.xlane v12, v3;
	v10 =	vadd.f32 v15, v50;
	v57 =	vperm.xlane v8, v2  }
0xcd: {  	v4 =	vsel vm7, v5, v4;
	v15 =	vperm.xlane v13, v3;
	v58 =	vperm.xlane v14, v2  }
0xce: {  	v12 =	vadd.f32 v12, v53;
	v59 =	vperm.xlane v10, v3;
	v5 =	vadd.f32 v8, v57  }
0xcf: {  	v4 =	vsel vm8, v4, v7;
	v7 =	vadd.f32 v13, v15;
	v60 =	vadd.f32 v14, v58  }
0xd0: {  	s24 =	simm.s32 $0x0;
	v4 =	vsel vm9, v4, v12;
	v61 =	vadd.f32 v10, v59;
	v62 =	vperm.xlane v5, v3  }
0xd1: {  	v63 =	vld [tilespmem:s24+$0x10600];
	v6 =	vadd.f32 v11, v6;
	v4 =	vsel vm10, v4, v7;
	v7 =	vperm.xlane v60, v3  }
0xd2: {  	v5 =	vadd.f32 v5, v62;
	v4 =	vsel vm11, v4, v61  }
0xd3: {  	v4 =	vsel vm12, v4, v6;
	v6 =	vadd.f32 v60, v7;
	v7 =	vld [tilespmem:s24+$0x10800]  }
0xd4: {  	v4 =	vsel vm13, v4, v5  }
0xd5: {  	v4 =	vsel vm14, v4, v6  }
0xd6: {  	v4 =	vadd.f32 v4, v63;
	_ =	sdelay $0x1  }
0xd7: {  	v4 =	vadd.f32 v4, v7;
	_ =	sdelay $0x1  }
0xd8: {  	v4 =	vsub.f32 $0.0e+00, v4;
	_ =	sdelay $0x1  }
0xd9: {  	s22 =	simm.s32 $0x40;
	v4 =	vmul.f32 $1.442695020e+00, v4  }
.LBB2_4:
0xda: {  	_ = 	snop  }
0xdb: {  	p0 =	sne.s32 s22, $0x7C0;
	s21 =	sadd.s32 $0x400, s21;
	s20 =	sadd.s32 $0x400, s20;
	(erf) = vpow2.f32 v4  }
0xdc: {  	s23 =	smov.u32 s22;
	s22 =	sadd.s32 $0x40, s22;
	_ =	sdelay $0x7  }
0xdd: {  	v4 =	vpop (erf)  }
0xde: {  	v4 =	vadd.f32 $1.000000000e+00, v4;
	_ =	sdelay $0x1  }
0xdf: {  	(erf) = vrcp.f32 v4;
	_ =	sdelay $0x8  }
0xe0: {  	v4 =	vpop (erf)  }
0xe1: {  	v4 =	vmul.f32 $1.600000000e+01, v4;
	_ =	sdelay $0x1  }
0xe2: {  	v4 =	vadd.f32 $1.400000000e+01, v4;
	_ =	sdelay $0x1  }
0xe3: {  	[tilespmem:s24+$0x10A00] =	vst v4  }
0xe4: {  	v4 =	vld [tilespmem:s20+$0x1D0]  }
0xe5: {  	v14 =	vld [tilespmem:s20+$0x1B0]  }
0xe6: {  	v18 =	vld [tilespmem:s21+$0x1B0]  }
0xe7: {  	v19 =	vld [tilespmem:s20+$0x1A0]  }
0xe8: {  	v22 =	vld [tilespmem:s21+$0x1A0]  }
0xe9: {  	v17 =	vld [tilespmem:s20+$0x130]  }
0xea: {  	v21 =	vld [tilespmem:s21+$0x130]  }
0xeb: {  	v16 =	vld [tilespmem:s20+$0x120]  }
0xec: {  	v20 =	vld [tilespmem:s21+$0x120]  }
0xed: {  	v5 =	vld [tilespmem:s20+$0x170]  }
0xee: {  	v6 =	vld [tilespmem:s21+$0x170]  }
0xef: {  	v7 =	vld [tilespmem:s20+$0x160]  }
0xf0: {  	v8 =	vld [tilespmem:s21+$0x160]  }
0xf1: {  	v12 =	vld [tilespmem:s20+$0x150]  }
0xf2: {  	v13 =	vld [tilespmem:s21+$0x150]  }
0xf3: {  	v9 =	vld [tilespmem:s20+$0xE0];
	v5 =	vmul.f32 v5, v6  }
0xf4: {  	v10 =	vld [tilespmem:s21+$0xA0]  }
0xf5: {  	v24 =	vld [tilespmem:s20+$0xD0];
	v7 =	vmul.f32 v7, v8  }
0xf6: {  	v27 =	vld [tilespmem:s21+$0xD0]  }
0xf7: {  	v11 =	vld [tilespmem:s20+$0xC0];
	v8 =	vmul.f32 v12, v13  }
0xf8: {  	v25 =	vld [tilespmem:s20+$0xFFFFFFF0]  }
0xf9: {  	v28 =	vld [tilespmem:s21+$0xFFFFFFF0]  }
0xfa: {  	v26 =	vld [tilespmem:s20+$0x90]  }
0xfb: {  	v29 =	vld [tilespmem:s20+$0xFFFFFE40]  }
0xfc: {  	v31 =	vld [tilespmem:s21+$0xFFFFFE40]  }
0xfd: {  	v6 =	vld [tilespmem:s20+$0x70]  }
0xfe: {  	v12 =	vld [tilespmem:s21+$0x70]  }
0xff: {  	v15 =	vld [tilespmem:s20+$0x60]  }
0x100: {  	v23 =	vld [tilespmem:s21+$0x60]  }
0x101: {  	v33 =	vld [tilespmem:s21+$0x90]  }
0x102: {  	v13 =	vld [tilespmem:s20+$0x80]  }
0x103: {  	v30 =	vld [tilespmem:s21+$0x50]  }
0x104: {  	v32 =	vld [tilespmem:s20+$0x50]  }
0x105: {  	v38 =	vld [tilespmem:s20+$0x40];
	v39 =	vmul.f32 v15, v23  }
0x106: {  	v23 =	vld [tilespmem:s21+$0x40]  }
0x107: {  	v15 =	vld [tilespmem:s20+$0x20]  }
0x108: {  	v35 =	vld [tilespmem:s20+$0xFFFFFE10]  }
0x109: {  	v37 =	vld [tilespmem:s21+$0xFFFFFE10];
	v30 =	vmul.f32 v32, v30  }
0x10a: {  	v34 =	vld [tilespmem:s20+$0x10]  }
0x10b: {  	v36 =	vld [tilespmem:s21+$0x10];
	v32 =	vmul.f32 v38, v23  }
0x10c: {  	v23 =	vld [tilespmem:s20+$0x0]  }
0x10d: {  	v38 =	vld [tilespmem:s20+$0xFFFFFFD0];
	v32 =	vadd.f32 v30, v32  }
0x10e: {  	v40 =	vld [tilespmem:s21+$0xFFFFFFD0]  }
0x10f: {  	v6 =	vmul.f32 v6, v12;
	v30 =	vld [tilespmem:s20+$0xFFFFFFC0];
	v32 =	vadd.f32 v39, v32  }
0x110: {  	v41 =	vld [tilespmem:s21+$0xFFFFFEF0]  }
0x111: {  	v12 =	vld [tilespmem:s20+$0xFFFFFFB0];
	v6 =	vadd.f32 v6, v32  }
0x112: {  	v39 =	vld [tilespmem:s21+$0xFFFFFFB0]  }
0x113: {  	v42 =	vld [tilespmem:s20+$0xFFFFFFA0];
	v32 =	vmul.f32 v38, v40;
	v38 =	vperm.xlane v6, v0  }
0x114: {  	v40 =	vld [tilespmem:s21+$0xFFFFFFA0]  }
0x115: {  	v43 =	vld [tilespmem:s20+$0xFFFFFF90];
	v6 =	vadd.f32 v6, v38  }
0x116: {  	v44 =	vld [tilespmem:s21+$0xFFFFFF90]  }
0x117: {  	v45 =	vld [tilespmem:s20+$0xFFFFFF80];
	v12 =	vmul.f32 v12, v39;
	v39 =	vperm.xlane v6, v1  }
0x118: {  	v46 =	vld [tilespmem:s21+$0xFFFFFF80]  }
0x119: {  	v38 =	vld [tilespmem:s20+$0xFFFFFEB0];
	v40 =	vmul.f32 v42, v40;
	v6 =	vadd.f32 v6, v39  }
0x11a: {  	v39 =	vld [tilespmem:s20+$0xFFFFFF70]  }
0x11b: {  	v42 =	vld [tilespmem:s21+$0xFFFFFF70];
	v43 =	vmul.f32 v43, v44;
	v44 =	vperm.xlane v6, v2  }
0x11c: {  	v47 =	vld [tilespmem:s20+$0xFFFFFF60]  }
0x11d: {  	v48 =	vld [tilespmem:s21+$0xFFFFFF60];
	v45 =	vmul.f32 v45, v46;
	v6 =	vadd.f32 v6, v44  }
0x11e: {  	v44 =	vld [tilespmem:s20+$0xFFFFFF50]  }
0x11f: {  	v46 =	vld [tilespmem:s21+$0xFFFFFF50];
	v43 =	vadd.f32 v43, v45;
	v45 =	vperm.xlane v6, v3  }
0x120: {  	v49 =	vld [tilespmem:s20+$0xFFFFFF40];
	v42 =	vmul.f32 v39, v42  }
0x121: {  	v50 =	vld [tilespmem:s21+$0xFFFFFF40];
	v39 =	vadd.f32 v40, v43;
	v6 =	vadd.f32 v6, v45  }
0x122: {  	v40 =	vld [tilespmem:s21+$0xFFFFFF30];
	v43 =	vmul.f32 v47, v48  }
0x123: {  	v45 =	vld [tilespmem:s20+$0xFFFFFF20];
	v12 =	vadd.f32 v12, v39  }
0x124: {  	v39 =	vld [tilespmem:s20+$0xFFFFFE30];
	v44 =	vmul.f32 v44, v46  }
0x125: {  	v46 =	vld [tilespmem:s20+$0xFFFFFF30];
	v47 =	vperm.xlane v12, v0  }
0x126: {  	v48 =	vld [tilespmem:s21+$0xFFFFFF20];
	v49 =	vmul.f32 v49, v50  }
0x127: {  	v50 =	vld [tilespmem:s20+$0xFFFFFF10];
	v12 =	vadd.f32 v12, v47  }
0x128: {  	v47 =	vld [tilespmem:s21+$0xFFFFFF10];
	v44 =	vadd.f32 v44, v49  }
0x129: {  	v49 =	vld [tilespmem:s20+$0xFFFFFF00];
	v51 =	vperm.xlane v12, v1  }
0x12a: {  	v52 =	vld [tilespmem:s21+$0xFFFFFF00];
	v43 =	vadd.f32 v43, v44  }
0x12b: {  	v44 =	vld [tilespmem:s20+$0xFFFFFEA0];
	v45 =	vmul.f32 v45, v48;
	v12 =	vadd.f32 v12, v51  }
0x12c: {  	v48 =	vld [tilespmem:s21+$0xFFFFFEA0];
	v42 =	vadd.f32 v42, v43  }
0x12d: {  	v43 =	vld [tilespmem:s20+$0xFFFFFE70];
	v47 =	vmul.f32 v50, v47;
	v50 =	vperm.xlane v12, v2  }
0x12e: {  	v51 =	vld [tilespmem:s20+$0xFFFFFEF0];
	v53 =	vperm.xlane v42, v0  }
0x12f: {  	v54 =	vld [tilespmem:s20+$0xFFFFFEE0];
	v49 =	vmul.f32 v49, v52;
	v12 =	vadd.f32 v12, v50  }
0x130: {  	v50 =	vld [tilespmem:s21+$0xFFFFFEE0];
	v42 =	vadd.f32 v42, v53  }
0x131: {  	v44 =	vmul.f32 v44, v48;
	v48 =	vld [tilespmem:s20+$0xFFFFFED0];
	v47 =	vadd.f32 v47, v49;
	v49 =	vperm.xlane v12, v3  }
0x132: {  	v52 =	vld [tilespmem:s21+$0xFFFFFED0];
	v53 =	vperm.xlane v42, v1  }
0x133: {  	v40 =	vmul.f32 v46, v40;
	v55 =	vld [tilespmem:s20+$0xFFFFFEC0];
	v45 =	vadd.f32 v45, v47;
	v12 =	vadd.f32 v12, v49  }
0x134: {  	v41 =	vmul.f32 v51, v41;
	v46 =	vld [tilespmem:s21+$0xFFFFFEC0];
	v42 =	vadd.f32 v42, v53  }
0x135: {  	v47 =	vld [tilespmem:s20+$0xFFFFFE20];
	v49 =	vmul.f32 v54, v50;
	v40 =	vadd.f32 v40, v45  }
0x136: {  	v45 =	vld [tilespmem:s20+$0xFFFFFE90];
	v50 =	vperm.xlane v42, v2  }
0x137: {  	v51 =	vld [tilespmem:s21+$0xFFFFFE90];
	v48 =	vmul.f32 v48, v52;
	v52 =	vperm.xlane v40, v0  }
0x138: {  	v53 =	vld [tilespmem:s21+$0xFFFFFE60];
	v42 =	vadd.f32 v42, v50  }
0x139: {  	v50 =	vld [tilespmem:s20+$0xFFFFFE80];
	v46 =	vmul.f32 v55, v46;
	v40 =	vadd.f32 v40, v52  }
0x13a: {  	v52 =	vld [tilespmem:s20+$0xFFFFFE60];
	v54 =	vperm.xlane v42, v3  }
0x13b: {  	v18 =	vmul.f32 v14, v18;
	v55 =	vld [tilespmem:s21+$0xFFFFFE00];
	v46 =	vadd.f32 v48, v46;
	v48 =	vperm.xlane v40, v1  }
0x13c: {  	v19 =	vmul.f32 v19, v22;
	v56 =	vld [tilespmem:s20+$0xFFFFFE50];
	v45 =	vmul.f32 v45, v51;
	v14 =	vadd.f32 v42, v54  }
0x13d: {  	v17 =	vmul.f32 v17, v21;
	v22 =	vld [tilespmem:s21+$0xFFFFFE50];
	v42 =	vadd.f32 v49, v46;
	v40 =	vadd.f32 v40, v48  }
0x13e: {  	v16 =	vmul.f32 v16, v20;
	v24 =	vmul.f32 v24, v27;
	v21 =	vld [tilespmem:s20+$0xFFFFFE00]  }
0x13f: {  	v25 =	vmul.f32 v25, v28;
	v20 =	vld [tilespmem:s21+$0xFFFFFE80];
	v27 =	vadd.f32 v41, v42;
	v41 =	vperm.xlane v40, v2  }
0x140: {  	v29 =	vmul.f32 v29, v31;
	v26 =	vmul.f32 v26, v33;
	v28 =	vld [tilespmem:s21+$0xFFFFFE20]  }
0x141: {  	v31 =	vmul.f32 v35, v37;
	v33 =	vld [tilespmem:s21+$0xFFFFFE70];
	v35 =	vperm.xlane v27, v0;
	v37 =	vadd.f32 v40, v41  }
0x142: {  	v34 =	vmul.f32 v34, v36;
	v40 =	vld [tilespmem:s21+$0xFFFFFE30];
	v22 =	vmul.f32 v56, v22  }
0x143: {  	v21 =	vmul.f32 v21, v55;
	v36 =	vld [tilespmem:s21+$0xFFFFFEB0];
	v27 =	vadd.f32 v27, v35;
	v35 =	vperm.xlane v37, v3  }
0x144: {  	v22 =	vadd.f32 v22, v29;
	v29 =	vmul.f32 v52, v53;
	v20 =	vmul.f32 v50, v20;
	v41 =	vld [tilespmem:s21+$0xFFFFFFC0]  }
0x145: {  	v21 =	vadd.f32 v31, v21;
	v28 =	vmul.f32 v47, v28;
	v31 =	vperm.xlane v27, v1;
	v42 =	vld [tilespmem:s21+$0x0]  }
0x146: {  	v22 =	vadd.f32 v29, v22;
	v29 =	vmul.f32 v43, v33;
	v20 =	vadd.f32 v45, v20;
	v33 =	vld [tilespmem:s21+$0xFFFFFFE0]  }
0x147: {  	v21 =	vadd.f32 v28, v21;
	v28 =	vmul.f32 v39, v40;
	v27 =	vadd.f32 v27, v31;
	v31 =	vld [tilespmem:s21+$0x20]  }
0x148: {  	v22 =	vadd.f32 v29, v22;
	v20 =	vadd.f32 v44, v20;
	v29 =	vmul.f32 v38, v36;
	v36 =	vld [tilespmem:s20+$0xFFFFFFE0]  }
0x149: {  	v21 =	vadd.f32 v28, v21;
	v28 =	vperm.xlane v27, v2;
	v30 =	vmul.f32 v30, v41;
	v38 =	vld [tilespmem:s21+$0x80]  }
0x14a: {  	v39 =	vperm.xlane v22, v0;
	v20 =	vadd.f32 v29, v20;
	v23 =	vmul.f32 v23, v42;
	v29 =	vld [tilespmem:s20+$0x30]  }
0x14b: {  	v40 =	vperm.xlane v21, v0;
	v27 =	vadd.f32 v27, v28;
	v28 =	vadd.f32 v32, v30;
	v30 =	vld [tilespmem:s21+$0x30]  }
0x14c: {  	v22 =	vadd.f32 v22, v39;
	v32 =	vperm.xlane v20, v0;
	v31 =	vmul.f32 v15, v31;
	v39 =	vld [tilespmem:s21+$0xC0]  }
0x14d: {  	v21 =	vadd.f32 v21, v40;
	v15 =	vperm.xlane v27, v3;
	v33 =	vmul.f32 v36, v33;
	v36 =	vld [tilespmem:s20+$0xA0]  }
0x14e: {  	v23 =	vadd.f32 v34, v23;
	v40 =	vperm.xlane v22, v1;
	v20 =	vadd.f32 v20, v32;
	v32 =	vld [tilespmem:s21+$0xE0]  }
0x14f: {  	v34 =	vperm.xlane v21, v1;
	v15 =	vadd.f32 v27, v15;
	v27 =	vadd.f32 v33, v28;
	v28 =	vld [tilespmem:s20+$0x140]  }
0x150: {  	v23 =	vadd.f32 v31, v23;
	v31 =	vmul.f32 v13, v38;
	v33 =	vperm.xlane v20, v1;
	v38 =	vld [tilespmem:s21+$0x140]  }
0x151: {  	v13 =	vadd.f32 v37, v35;
	v29 =	vmul.f32 v29, v30;
	v30 =	vld [tilespmem:s20+$0xB0];
	v11 =	vmul.f32 v11, v39  }
0x152: {  	v26 =	vadd.f32 v26, v31;
	v20 =	vadd.f32 v20, v33;
	v10 =	vmul.f32 v36, v10;
	v31 =	vld [tilespmem:s20+$0x100]  }
0x153: {  	v22 =	vadd.f32 v22, v40;
	v21 =	vadd.f32 v21, v34;
	v9 =	vmul.f32 v9, v32;
	v32 =	vld [tilespmem:s21+$0x100]  }
0x154: {  	v25 =	vadd.f32 v25, v27;
	v23 =	vadd.f32 v29, v23;
	v33 =	vperm.xlane v20, v2;
	v27 =	vld [tilespmem:s20+$0x110]  }
0x155: {  	v29 =	vperm.xlane v21, v2;
	v11 =	vadd.f32 v24, v11;
	v24 =	vld [tilespmem:s21+$0x110];
	v28 =	vmul.f32 v28, v38  }
0x156: {  	v34 =	vperm.xlane v22, v2;
	v20 =	vadd.f32 v20, v33;
	v33 =	vperm.xlane v25, v0;
	v35 =	vld [tilespmem:s21+$0xB0]  }
0x157: {  	v21 =	vadd.f32 v21, v29;
	v29 =	vperm.xlane v23, v0;
	v8 =	vadd.f32 v8, v28;
	v28 =	vld [tilespmem:s20+$0x180]  }
0x158: {  	v22 =	vadd.f32 v22, v34;
	v34 =	vperm.xlane v20, v3;
	v25 =	vadd.f32 v25, v33;
	v33 =	vld [tilespmem:s21+$0xF0]  }
0x159: {  	v9 =	vadd.f32 v9, v11;
	v36 =	vperm.xlane v21, v3;
	v31 =	vmul.f32 v31, v32;
	v11 =	vld [tilespmem:s20+$0xF0]  }
0x15a: {  	v7 =	vadd.f32 v7, v8;
	v20 =	vadd.f32 v20, v34;
	v32 =	vperm.xlane v25, v1;
	v8 =	vld [tilespmem:s21+$0x180]  }
0x15b: {  	v23 =	vadd.f32 v23, v29;
	v21 =	vadd.f32 v21, v36;
	v29 =	vmul.f32 v30, v35;
	v30 =	vld [tilespmem:s20+$0x190]  }
0x15c: {  	v24 =	vmul.f32 v27, v24;
	v5 =	vadd.f32 v5, v7;
	v25 =	vadd.f32 v25, v32;
	v7 =	vld [tilespmem:s21+$0x190]  }
0x15d: {  	v10 =	vadd.f32 v10, v26;
	v27 =	vperm.xlane v22, v3;
	v32 =	vperm.xlane v23, v1;
	v26 =	vld [tilespmem:s21+$0x1D0]  }
0x15e: {  	v34 =	vperm.xlane v25, v2;
	v11 =	vmul.f32 v11, v33;
	v33 =	vld [tilespmem:s20+$0x1C0]  }
0x15f: {  	v24 =	vadd.f32 v24, v31;
	v10 =	vadd.f32 v29, v10;
	v29 =	vperm.xlane v5, v0;
	v31 =	vld [tilespmem:s21+$0x1C0]  }
0x160: {  	v23 =	vadd.f32 v23, v32;
	v8 =	vmul.f32 v28, v8;
	v25 =	vadd.f32 v25, v34  }
0x161: {  	v22 =	vadd.f32 v22, v27;
	v16 =	vadd.f32 v16, v24;
	v7 =	vmul.f32 v30, v7  }
0x162: {  	v27 =	vperm.xlane v23, v2;
	v9 =	vadd.f32 v11, v9;
	v24 =	vperm.xlane v25, v3;
	v11 =	vld [tilespmem:s21+$0x1E0]  }
0x163: {  	v28 =	vperm.xlane v10, v0;
	v16 =	vadd.f32 v17, v16;
	v7 =	vadd.f32 v7, v8;
	v8 =	vld [tilespmem:s20+$0x1E0]  }
0x164: {  	v4 =	vmul.f32 v4, v26;
	v17 =	vadd.f32 v25, v24;
	v24 =	vperm.xlane v9, v0  }
0x165: {  	v10 =	vadd.f32 v10, v28;
	v25 =	vperm.xlane v16, v0;
	v26 =	vmul.f32 v33, v31  }
0x166: {  	v5 =	vadd.f32 v5, v29;
	v23 =	vadd.f32 v23, v27  }
0x167: {  	v27 =	vperm.xlane v10, v1;
	v16 =	vadd.f32 v16, v25;
	v4 =	vadd.f32 v4, v26  }
0x168: {  	v21 =	vsel vm0, v21, v22;
	v22 =	vperm.xlane v5, v1;
	v8 =	vmul.f32 v8, v11  }
0x169: {  	v10 =	vadd.f32 v10, v27;
	v9 =	vadd.f32 v9, v24;
	v11 =	vperm.xlane v16, v1;
	v24 =	vld [tilespmem:s21+$0x1F0]  }
0x16a: {  	v20 =	vsel vm1, v21, v20;
	v5 =	vadd.f32 v5, v22;
	v21 =	vperm.xlane v23, v3;
	v22 =	vld [tilespmem:s20+$0x1F0]  }
0x16b: {  	v7 =	vadd.f32 v19, v7;
	v25 =	vperm.xlane v10, v2;
	v11 =	vadd.f32 v16, v11  }
0x16c: {  	v15 =	vsel vm2, v20, v15;
	v19 =	vperm.xlane v5, v2;
	v16 =	vadd.f32 v23, v21  }
0x16d: {  	v10 =	vadd.f32 v10, v25;
	v4 =	vadd.f32 v8, v4;
	v20 =	vperm.xlane v11, v2  }
0x16e: {  	v5 =	vadd.f32 v5, v19;
	v7 =	vadd.f32 v18, v7;
	v8 =	vperm.xlane v9, v1  }
0x16f: {  	v18 =	vperm.xlane v10, v3;
	v11 =	vadd.f32 v11, v20;
	v19 =	vmul.f32 v22, v24  }
0x170: {  	v13 =	vsel vm3, v15, v13;
	v15 =	vperm.xlane v5, v3  }
0x171: {  	v10 =	vadd.f32 v10, v18;
	v18 =	vperm.xlane v11, v3;
	v4 =	vadd.f32 v19, v4  }
0x172: {  	v5 =	vadd.f32 v5, v15;
	v8 =	vadd.f32 v9, v8;
	v9 =	vperm.xlane v7, v0  }
0x173: {  	v13 =	vsel vm4, v13, v14;
	v11 =	vadd.f32 v11, v18;
	v14 =	vperm.xlane v4, v0  }
0x174: {  	v12 =	vsel vm5, v13, v12;
	v13 =	vperm.xlane v8, v2;
	v7 =	vadd.f32 v7, v9  }
0x175: {  	v9 =	vsel vm6, v12, v17;
	v4 =	vadd.f32 v4, v14  }
0x176: {  	v9 =	vsel vm7, v9, v16;
	v8 =	vadd.f32 v8, v13;
	v12 =	vperm.xlane v7, v1  }
0x177: {  	v6 =	vsel vm8, v9, v6;
	v9 =	vperm.xlane v4, v1  }
0x178: {  	v6 =	vsel vm9, v6, v10;
	v10 =	vperm.xlane v8, v3;
	v7 =	vadd.f32 v7, v12  }
0x179: {  	v4 =	vadd.f32 v4, v9  }
0x17a: {  	v8 =	vadd.f32 v8, v10;
	v9 =	vperm.xlane v7, v2  }
0x17b: {  	v10 =	vperm.xlane v4, v2  }
0x17c: {  	v6 =	vsel vm10, v6, v8;
	v7 =	vadd.f32 v7, v9  }
0x17d: {  	v6 =	vsel vm11, v6, v11;
	v4 =	vadd.f32 v4, v10  }
0x17e: {  	s24 =	sshra.s32 s23, $0x2;
	v5 =	vsel vm12, v6, v5;
	v6 =	vperm.xlane v7, v3  }
0x17f: {  	v8 =	vperm.xlane v4, v3;
	v9 =	vld [tilespmem:s24+$0x10600]  }
0x180: {  	v6 =	vadd.f32 v7, v6  }
0x181: {  	v4 =	vadd.f32 v4, v8;
	v7 =	vld [tilespmem:s24+$0x10800]  }
0x182: {  	v5 =	vsel vm13, v5, v6  }
0x183: {  	v4 =	vsel vm14, v5, v4  }
0x184: {  	v4 =	vadd.f32 v4, v9;
	_ =	sdelay $0x1  }
.Ltmp1:
0x185: {  	v4 =	vadd.f32 v4, v7;
	(pc) =	sbr.rel @p0 .LBB2_4-.Ltmp1, $3  }
0x186: {  	_ = 	snop  }
0x187: {  	v4 =	vsub.f32 $0.0e+00, v4;
	_ =	sdelay $0x1  }
0x188: {  	v4 =	vmul.f32 $1.442695020e+00, v4  }
0x189: {  	_ = 	snop  }
0x18a: {  	(erf) = vpow2.f32 v4;
	_ =	sdelay $0x8  }
0x18b: {  	v4 =	vpop (erf)  }
0x18c: {  	v4 =	vadd.f32 $1.000000000e+00, v4;
	_ =	sdelay $0x1  }
0x18d: {  	(erf) = vrcp.f32 v4;
	_ =	sdelay $0x8  }
0x18e: {  	v4 =	vpop (erf)  }
0x18f: {  	v4 =	vmul.f32 $1.600000000e+01, v4;
	_ =	sdelay $0x1  }
0x190: {  	s19 =	sadd.s32 $0x1, s19;
	v4 =	vadd.f32 $1.400000000e+01, v4  }
0x191: {  	p0 =	sne.s32 s19, s9  }
.Ltmp2:
0x192: {  	[tilespmem:s24+$0x10A00] =	vst v4;
	(pc) =	sbr.rel @p0 .LBB2_1-.Ltmp2, $4  }
0x193: {  	[hbm4b:s8+s2] =	stream.linear.scatter [tilespmem:s18], [sflag:$0x2], $0x200, $0x38;
	[tilespmem:$0x10C00] =	vst v63  }
0x194: {  	_ =	swait.ge [sflag:s10], $0x200  }
0x195: {  	[sflag:s10] =	ssyncset.done $0x0  }
0x196: {  	[sflag:s10] =	ssyncadd.s32 $0xFFFFFE00  }
0x197: {  	_ =	sfence.sel $0x180000  }
0x198: {  	[bflag:$0x0] =	sbarrier.arrive $0xFFFF  }
0x199: {  	p0 =	sne.s32 s3, $0x0;
	_ =	strace $0x90000047  }
0x19a: {  	s0 =	sadd.s32 @!p0 $0x100000, s1;
	[bflag:$0x2] =	sbarrier.arrive $0xFFFF  }
0x19b: {  	[sflag:s0] =	ssyncadd.tile.s32 @!p0 $0x1;
	_ =	shalt  }
.Lfunc_end2:
_tile_overlayer_lowered:
.L_overlay_start_2:
0x19c: {  	(tag) =	ssettag $0x2  }
0x19d: {  	s0 =	rddreg [dreg:$0x0];
	s2 =	stileid.u32  }
0x19e: {  	s1 =	rddreg [dreg:$0x1];
	p0 =	sne.s32 s2, $0x0  }
0x19f: {  	s3 =	rddreg [dreg:$0x2];
	[bflag:$0x3] =	sbarrier.arrive $0xFFFF;
	s2 =	simm.s32 @!p0 $0x1C02  }
0x1a0: {  	[timem:s3], [sflag:s2] =	dma.local @!p0 [hbm:s0], s1  }
0x1a1: {  	s0 =	simm.s32 @!p0 $0x2  }
0x1a2: {  	_ =	swait.ge @!p0 [sflag:s0], s1  }
0x1a3: {  	s1 =	ssub.s32 @!p0 $0x0, s1;
	[sflag:s0] =	ssyncset.done @!p0 $0x0  }
0x1a4: {  	[sflag:s0] =	ssyncadd.s32 @!p0 s1  }
0x1a5: {  	[bflag:$0x3] =	sbarrier.arrive $0xFFFF  }
0x1a6: {  	_ =	shalt  }

</sc_bundles>
